<compile_context>
chip_gen: v7x
topology: tpu7x:2x2x1
jax: 0.10.2.dev20260603
libtpu: 0.0.44.dev20260713+nightly
codegen_flags: <defaults>
</compile_context>

<pallas_src>
import functools

import jax
import jax.numpy as jnp
from jax import lax
from jax.experimental import pallas as pl
from jax.experimental.pallas import tpu as pltpu
from jax.experimental.pallas import tpu_sc as plsc

B = 16384
D = 64
OFF = 500
STAGE_BASE = 496
STAGE_ROWS = 512
OUT_CHUNK = 256


@functools.cache
def _build():
    info = plsc.get_sparse_core_info()
    nc, ns, nl = info.num_cores, info.num_subcores, info.num_lanes
    nw = nc * ns
    b_per_w = B // nw
    blk_per_chunk = OUT_CHUNK // nl

    mesh = plsc.VectorSubcoreMesh(core_axis_name="c", subcore_axis_name="s")

    @functools.partial(
        pl.kernel,
        mesh=mesh,
        out_type=jax.ShapeDtypeStruct((B, D), jnp.float32),
        scratch_types=[
            pltpu.VMEM((STAGE_ROWS * D,), jnp.float32),
            pltpu.VMEM((b_per_w,), jnp.int32),
            pltpu.VMEM((b_per_w, D), jnp.float32),
            pltpu.SemaphoreType.DMA,
            pltpu.SemaphoreType.DMA,
        ],
    )
    def gather_kernel(tab_hbm, idx_hbm, out_hbm, tab_v, idx_v, rows_v, sem, osem):
        wid = lax.axis_index("s") * nc + lax.axis_index("c")
        tab_cp = pltpu.async_copy(tab_hbm, tab_v, sem)
        pltpu.sync_copy(idx_hbm.at[pl.ds(wid * b_per_w, b_per_w)], idx_v)
        tab_cp.wait()

        def fill_block(k):
            base = k * nl
            v = idx_v[pl.ds(base, nl)]
            for i in range(nl):
                src0 = (v[i] + (OFF - STAGE_BASE)) * D
                for c in range(0, D, nl):
                    rows_v[base + i, pl.ds(c, nl)] = tab_v[pl.ds(src0 + c, nl)]

        out_cps = []
        for q in range(b_per_w // OUT_CHUNK):
            def body(k, carry):
                fill_block(q * blk_per_chunk + k)
                return carry

            lax.fori_loop(0, blk_per_chunk, body, 0)
            out_cps.append(
                pltpu.async_copy(
                    rows_v.at[pl.ds(q * OUT_CHUNK, OUT_CHUNK)],
                    out_hbm.at[pl.ds(wid * b_per_w + q * OUT_CHUNK, OUT_CHUNK)],
                    osem,
                )
            )
        for cp in out_cps:
            cp.wait()

    return gather_kernel


def kernel(L_self_modules_embedding_parameters_weight_, L_batch_):
    tab = L_self_modules_embedding_parameters_weight_[
        STAGE_BASE : STAGE_BASE + STAGE_ROWS
    ].reshape(-1)
    idx = L_batch_.astype(jnp.int32)
    out = _build()(tab, idx)
    return (out,)

# --- scband reference (transcript-rebuilt; emitter-appended) ---
"""Pipeline reference for scband-graph-module-59012850647681 (READ-ONLY COPY).

The authoritative reference and input builder live on the scoring server;
editing this copy changes nothing except your own understanding.
"""

import jax, jax.numpy as jnp
import numpy as np

def setup_inputs(seed: int = 0) -> dict:
    key = jax.random.key(seed)
    k1, k2 = jax.random.split(key)
    weight = jax.random.normal(k1, (1000000, 64), dtype=jnp.float32)
    batch = jax.random.randint(k2, (16384,), 0, 500, dtype=jnp.int64)
    return {"L_self_modules_embedding_parameters_weight_": weight, "L_batch_": batch}

def reference(L_self_modules_embedding_parameters_weight_, L_batch_):
    emb = L_self_modules_embedding_parameters_weight_[500:1000]
    index_select = jnp.take(emb, L_batch_, axis=0)
    return (index_select,)

if __name__ == "__main__":
    import jax
    _d = setup_inputs()
    print(jax.jit(kernel)(*tuple(_d.values())))

</pallas_src>

<mosaic_0001>
#map = affine_map<(d0, d1) -> (0)>
#map1 = affine_map<(d0, d1) -> (0, 0)>
module attributes {stable_mosaic.version = 14 : i64} {
  func.func @gather_kernel(%arg0: i32, %arg1: i32, %arg2: memref<32768xf32, #tpu.memory_space<hbm>>, %arg3: memref<16384xi32, #tpu.memory_space<hbm>>, %arg4: memref<16384x64xf32, #tpu.memory_space<hbm>>, %arg5: memref<32768xf32, #tpu.memory_space<vmem>>, %arg6: memref<512xi32, #tpu.memory_space<vmem>>, %arg7: memref<512x64xf32, #tpu.memory_space<vmem>>, %arg8: memref<!tpu.dma_semaphore, #tpu.memory_space<semaphore_mem>>, %arg9: memref<!tpu.dma_semaphore, #tpu.memory_space<semaphore_mem>>) attributes {dimension_semantics = [#tpu.dimension_semantics<core_parallel>, #tpu.dimension_semantics<subcore_parallel>], iteration_bounds = array<i64: 2, 16>, scalar_prefetch = 0 : i64, scratch_operands = 5 : i64, tpu.core_type = #tpu.core_type<sc_vector_subcore>, window_params = [{transform_indices = #map}, {transform_indices = #map}, {transform_indices = #map1}]} {
    %mul3A = arith.constant 2 : i32
    %mul3A_0 = arith.muli %arg1, %mul3A : i32
    %add3A = arith.addi %mul3A_0, %arg0 : i32
    tpu.enqueue_dma source(%arg2 : memref<32768xf32, #tpu.memory_space<hbm>>) target(%arg5 : memref<32768xf32, #tpu.memory_space<vmem>>) target_semaphore(%arg8 : memref<!tpu.dma_semaphore, #tpu.memory_space<semaphore_mem>>)
    %mul3A_1 = arith.constant 512 : i32
    %mul3A_2 = arith.muli %add3A, %mul3A_1 : i32
    "tpu.region"() ({
      %run_scoped3A = tpu.sem_alloc : memref<!tpu.dma_semaphore, #tpu.memory_space<semaphore_mem>>
      %dma_start3A_60 = tpu.memref_slice %arg3[%mul3A_2] : memref<16384xi32, #tpu.memory_space<hbm>> -> memref<512xi32, #tpu.memory_space<hbm>>
      %dma_start3A_61 = tpu.memref_slice %arg3[%mul3A_2] : memref<16384xi32, #tpu.memory_space<hbm>> -> memref<512xi32, #tpu.memory_space<hbm>>
      tpu.enqueue_dma source(%dma_start3A_61 : memref<512xi32, #tpu.memory_space<hbm>>) target(%arg6 : memref<512xi32, #tpu.memory_space<vmem>>) target_semaphore(%run_scoped3A : memref<!tpu.dma_semaphore, #tpu.memory_space<semaphore_mem>>)
      %dma_wait3A_62 = tpu.memref_slice %arg3[%mul3A_2] : memref<16384xi32, #tpu.memory_space<hbm>> -> memref<512xi32, #tpu.memory_space<hbm>>
      %dma_wait3A_63 = tpu.memref_slice %arg3[%mul3A_2] : memref<16384xi32, #tpu.memory_space<hbm>> -> memref<512xi32, #tpu.memory_space<hbm>>
      tpu.wait_dma2 semaphore(%run_scoped3A : memref<!tpu.dma_semaphore, #tpu.memory_space<semaphore_mem>>) src(%dma_wait3A_63 : memref<512xi32, #tpu.memory_space<hbm>>) dst(%arg6 : memref<512xi32, #tpu.memory_space<vmem>>)
      tpu.yield
    }) : () -> ()
    tpu.wait_dma2 semaphore(%arg8 : memref<!tpu.dma_semaphore, #tpu.memory_space<semaphore_mem>>) src(%arg2 : memref<32768xf32, #tpu.memory_space<hbm>>) dst(%arg5 : memref<32768xf32, #tpu.memory_space<vmem>>)
    %scan3A = arith.constant 0 : i32
    %scan3A_3 = arith.constant 0 : i32
    %scan3A_4 = arith.constant 16 : i32
    %scan3A_5 = arith.addi %scan3A_3, %scan3A_4 : i32
    %scan3A_6 = arith.constant 1 : i32
    scf.for %scan3A_60 = %scan3A_3 to %scan3A_5 step %scan3A_6  : i32 {
      %add3A_61 = arith.constant 0 : i32
      %add3A_62 = arith.addi %add3A_61, %scan3A_60 : i32
      %mul3A_63 = arith.constant 16 : i32
      %mul3A_64 = arith.muli %add3A_62, %mul3A_63 : i32
      %get3A = arith.index_cast %mul3A_64 : i32 to index
      %get3A_65 = tpu.vector_load %arg6[%get3A] {strides = array<i32>} : memref<512xi32, #tpu.memory_space<vmem>>, vector<16xi32>,
      %get3A_66 = vector.shape_cast %get3A_65 : vector<16xi32> to vector<16xi32>
      %slice3A = vector.extract_strided_slice %get3A_66 {offsets = [0], sizes = [1], strides = [1]} : vector<16xi32> to vector<1xi32>
      %squeeze3A = vector.extract %slice3A[0] : i32 from vector<1xi32>
      %add3A_67 = arith.constant 4 : i32
      %add3A_68 = arith.addi %squeeze3A, %add3A_67 : i32
      %mul3A_69 = arith.constant 64 : i32
      %mul3A_70 = arith.muli %add3A_68, %mul3A_69 : i32
      %add3A_71 = arith.constant 0 : i32
      %add3A_72 = arith.addi %mul3A_70, %add3A_71 : i32
      %get3A_73 = arith.index_cast %add3A_72 : i32 to index
      %get3A_74 = tpu.vector_load %arg5[%get3A_73] {strides = array<i32>} : memref<32768xf32, #tpu.memory_space<vmem>>, vector<16xf32>,
      %get3A_75 = vector.shape_cast %get3A_74 : vector<16xf32> to vector<16xf32>
      %add3A_76 = arith.constant 0 : i32
      %add3A_77 = arith.addi %mul3A_64, %add3A_76 : i32
      %swap3A = arith.index_cast %add3A_77 : i32 to index
      %swap3A_78 = arith.constant 0 : index
      %swap3A_79 = tpu.vector_load %arg7[%swap3A, %swap3A_78] {strides = array<i32>} : memref<512x64xf32, #tpu.memory_space<vmem>>, vector<1x16xf32>,
      %swap3A_80 = vector.shape_cast %swap3A_79 : vector<1x16xf32> to vector<16xf32>
      %swap3A_81 = vector.shape_cast %get3A_75 : vector<16xf32> to vector<1x16xf32>
      tpu.vector_store %arg7[%swap3A, %swap3A_78], %swap3A_81 {strides = array<i32>} : memref<512x64xf32, #tpu.memory_space<vmem>>, vector<1x16xf32>,
      %add3A_82 = arith.constant 16 : i32
      %add3A_83 = arith.addi %mul3A_70, %add3A_82 : i32
      %get3A_84 = arith.index_cast %add3A_83 : i32 to index
      %get3A_85 = tpu.vector_load %arg5[%get3A_84] {strides = array<i32>} : memref<32768xf32, #tpu.memory_space<vmem>>, vector<16xf32>,
      %get3A_86 = vector.shape_cast %get3A_85 : vector<16xf32> to vector<16xf32>
      %add3A_87 = arith.constant 0 : i32
      %add3A_88 = arith.addi %mul3A_64, %add3A_87 : i32
      %swap3A_89 = arith.index_cast %add3A_88 : i32 to index
      %swap3A_90 = arith.constant 16 : index
      %swap3A_91 = tpu.vector_load %arg7[%swap3A_89, %swap3A_90] {strides = array<i32>} : memref<512x64xf32, #tpu.memory_space<vmem>>, vector<1x16xf32>,
      %swap3A_92 = vector.shape_cast %swap3A_91 : vector<1x16xf32> to vector<16xf32>
      %swap3A_93 = vector.shape_cast %get3A_86 : vector<16xf32> to vector<1x16xf32>
      tpu.vector_store %arg7[%swap3A_89, %swap3A_90], %swap3A_93 {strides = array<i32>} : memref<512x64xf32, #tpu.memory_space<vmem>>, vector<1x16xf32>,
      %add3A_94 = arith.constant 32 : i32
      %add3A_95 = arith.addi %mul3A_70, %add3A_94 : i32
      %get3A_96 = arith.index_cast %add3A_95 : i32 to index
      %get3A_97 = tpu.vector_load %arg5[%get3A_96] {strides = array<i32>} : memref<32768xf32, #tpu.memory_space<vmem>>, vector<16xf32>,
      %get3A_98 = vector.shape_cast %get3A_97 : vector<16xf32> to vector<16xf32>
      %add3A_99 = arith.constant 0 : i32
      %add3A_100 = arith.addi %mul3A_64, %add3A_99 : i32
      %swap3A_101 = arith.index_cast %add3A_100 : i32 to index
      %swap3A_102 = arith.constant 32 : index
      %swap3A_103 = tpu.vector_load %arg7[%swap3A_101, %swap3A_102] {strides = array<i32>} : memref<512x64xf32, #tpu.memory_space<vmem>>, vector<1x16xf32>,
      %swap3A_104 = vector.shape_cast %swap3A_103 : vector<1x16xf32> to vector<16xf32>
      %swap3A_105 = vector.shape_cast %get3A_98 : vector<16xf32> to vector<1x16xf32>
      tpu.vector_store %arg7[%swap3A_101, %swap3A_102], %swap3A_105 {strides = array<i32>} : memref<512x64xf32, #tpu.memory_space<vmem>>, vector<1x16xf32>,
      %add3A_106 = arith.constant 48 : i32
      %add3A_107 = arith.addi %mul3A_70, %add3A_106 : i32
      %get3A_108 = arith.index_cast %add3A_107 : i32 to index
      %get3A_109 = tpu.vector_load %arg5[%get3A_108] {strides = array<i32>} : memref<32768xf32, #tpu.memory_space<vmem>>, vector<16xf32>,
      %get3A_110 = vector.shape_cast %get3A_109 : vector<16xf32> to vector<16xf32>
      %add3A_111 = arith.constant 0 : i32
      %add3A_112 = arith.addi %mul3A_64, %add3A_111 : i32
      %swap3A_113 = arith.index_cast %add3A_112 : i32 to index
      %swap3A_114 = arith.constant 48 : index
      %swap3A_115 = tpu.vector_load %arg7[%swap3A_113, %swap3A_114] {strides = array<i32>} : memref<512x64xf32, #tpu.memory_space<vmem>>, vector<1x16xf32>,
      %swap3A_116 = vector.shape_cast %swap3A_115 : vector<1x16xf32> to vector<16xf32>
      %swap3A_117 = vector.shape_cast %get3A_110 : vector<16xf32> to vector<1x16xf32>
      tpu.vector_store %arg7[%swap3A_113, %swap3A_114], %swap3A_117 {strides = array<i32>} : memref<512x64xf32, #tpu.memory_space<vmem>>, vector<1x16xf32>,
      %slice3A_118 = vector.extract_strided_slice %get3A_66 {offsets = [1], sizes = [1], strides = [1]} : vector<16xi32> to vector<1xi32>
      %squeeze3A_119 = vector.extract %slice3A_118[0] : i32 from vector<1xi32>
      %add3A_120 = arith.constant 4 : i32
      %add3A_121 = arith.addi %squeeze3A_119, %add3A_120 : i32
      %mul3A_122 = arith.constant 64 : i32
      %mul3A_123 = arith.muli %add3A_121, %mul3A_122 : i32
      %add3A_124 = arith.constant 0 : i32
      %add3A_125 = arith.addi %mul3A_123, %add3A_124 : i32
      %get3A_126 = arith.index_cast %add3A_125 : i32 to index
      %get3A_127 = tpu.vector_load %arg5[%get3A_126] {strides = array<i32>} : memref<32768xf32, #tpu.memory_space<vmem>>, vector<16xf32>,
      %get3A_128 = vector.shape_cast %get3A_127 : vector<16xf32> to vector<16xf32>
      %add3A_129 = arith.constant 1 : i32
      %add3A_130 = arith.addi %mul3A_64, %add3A_129 : i32
      %swap3A_131 = arith.index_cast %add3A_130 : i32 to index
      %swap3A_132 = arith.constant 0 : index
      %swap3A_133 = tpu.vector_load %arg7[%swap3A_131, %swap3A_132] {strides = array<i32>} : memref<512x64xf32, #tpu.memory_space<vmem>>, vector<1x16xf32>,
      %swap3A_134 = vector.shape_cast %swap3A_133 : vector<1x16xf32> to vector<16xf32>
      %swap3A_135 = vector.shape_cast %get3A_128 : vector<16xf32> to vector<1x16xf32>
      tpu.vector_store %arg7[%swap3A_131, %swap3A_132], %swap3A_135 {strides = array<i32>} : memref<512x64xf32, #tpu.memory_space<vmem>>, vector<1x16xf32>,
      %add3A_136 = arith.constant 16 : i32
      %add3A_137 = arith.addi %mul3A_123, %add3A_136 : i32
      %get3A_138 = arith.index_cast %add3A_137 : i32 to index
      %get3A_139 = tpu.vector_load %arg5[%get3A_138] {strides = array<i32>} : memref<32768xf32, #tpu.memory_space<vmem>>, vector<16xf32>,
      %get3A_140 = vector.shape_cast %get3A_139 : vector<16xf32> to vector<16xf32>
      %add3A_141 = arith.constant 1 : i32
      %add3A_142 = arith.addi %mul3A_64, %add3A_141 : i32
      %swap3A_143 = arith.index_cast %add3A_142 : i32 to index
      %swap3A_144 = arith.constant 16 : index
      %swap3A_145 = tpu.vector_load %arg7[%swap3A_143, %swap3A_144] {strides = array<i32>} : memref<512x64xf32, #tpu.memory_space<vmem>>, vector<1x16xf32>,
      %swap3A_146 = vector.shape_cast %swap3A_145 : vector<1x16xf32> to vector<16xf32>
      %swap3A_147 = vector.shape_cast %get3A_140 : vector<16xf32> to vector<1x16xf32>
      tpu.vector_store %arg7[%swap3A_143, %swap3A_144], %swap3A_147 {strides = array<i32>} : memref<512x64xf32, #tpu.memory_space<vmem>>, vector<1x16xf32>,
      %add3A_148 = arith.constant 32 : i32
      %add3A_149 = arith.addi %mul3A_123, %add3A_148 : i32
      %get3A_150 = arith.index_cast %add3A_149 : i32 to index
      %get3A_151 = tpu.vector_load %arg5[%get3A_150] {strides = array<i32>} : memref<32768xf32, #tpu.memory_space<vmem>>, vector<16xf32>,
      %get3A_152 = vector.shape_cast %get3A_151 : vector<16xf32> to vector<16xf32>
      %add3A_153 = arith.constant 1 : i32
      %add3A_154 = arith.addi %mul3A_64, %add3A_153 : i32
      %swap3A_155 = arith.index_cast %add3A_154 : i32 to index
      %swap3A_156 = arith.constant 32 : index
      %swap3A_157 = tpu.vector_load %arg7[%swap3A_155, %swap3A_156] {strides = array<i32>} : memref<512x64xf32, #tpu.memory_space<vmem>>, vector<1x16xf32>,
      %swap3A_158 = vector.shape_cast %swap3A_157 : vector<1x16xf32> to vector<16xf32>
      %swap3A_159 = vector.shape_cast %get3A_152 : vector<16xf32> to vector<1x16xf32>
      tpu.vector_store %arg7[%swap3A_155, %swap3A_156], %swap3A_159 {strides = array<i32>} : memref<512x64xf32, #tpu.memory_space<vmem>>, vector<1x16xf32>,
      %add3A_160 = arith.constant 48 : i32
      %add3A_161 = arith.addi %mul3A_123, %add3A_160 : i32
      %get3A_162 = arith.index_cast %add3A_161 : i32 to index
      %get3A_163 = tpu.vector_load %arg5[%get3A_162] {strides = array<i32>} : memref<32768xf32, #tpu.memory_space<vmem>>, vector<16xf32>,
      %get3A_164 = vector.shape_cast %get3A_163 : vector<16xf32> to vector<16xf32>
      %add3A_165 = arith.constant 1 : i32
      %add3A_166 = arith.addi %mul3A_64, %add3A_165 : i32
      %swap3A_167 = arith.index_cast %add3A_166 : i32 to index
      %swap3A_168 = arith.constant 48 : index
      %swap3A_169 = tpu.vector_load %arg7[%swap3A_167, %swap3A_168] {strides = array<i32>} : memref<512x64xf32, #tpu.memory_space<vmem>>, vector<1x16xf32>,
      %swap3A_170 = vector.shape_cast %swap3A_169 : vector<1x16xf32> to vector<16xf32>
      %swap3A_171 = vector.shape_cast %get3A_164 : vector<16xf32> to vector<1x16xf32>
      tpu.vector_store %arg7[%swap3A_167, %swap3A_168], %swap3A_171 {strides = array<i32>} : memref<512x64xf32, #tpu.memory_space<vmem>>, vector<1x16xf32>,
      %slice3A_172 = vector.extract_strided_slice %get3A_66 {offsets = [2], sizes = [1], strides = [1]} : vector<16xi32> to vector<1xi32>
      %squeeze3A_173 = vector.extract %slice3A_172[0] : i32 from vector<1xi32>
      %add3A_174 = arith.constant 4 : i32
      %add3A_175 = arith.addi %squeeze3A_173, %add3A_174 : i32
      %mul3A_176 = arith.constant 64 : i32
      %mul3A_177 = arith.muli %add3A_175, %mul3A_176 : i32
      %add3A_178 = arith.constant 0 : i32
      %add3A_179 = arith.addi %mul3A_177, %add3A_178 : i32
      %get3A_180 = arith.index_cast %add3A_179 : i32 to index
      %get3A_181 = tpu.vector_load %arg5[%get3A_180] {strides = array<i32>} : memref<32768xf32, #tpu.memory_space<vmem>>, vector<16xf32>,
      %get3A_182 = vector.shape_cast %get3A_181 : vector<16xf32> to vector<16xf32>
      %add3A_183 = arith.constant 2 : i32
      %add3A_184 = arith.addi %mul3A_64, %add3A_183 : i32
      %swap3A_185 = arith.index_cast %add3A_184 : i32 to index
      %swap3A_186 = arith.constant 0 : index
      %swap3A_187 = tpu.vector_load %arg7[%swap3A_185, %swap3A_186] {strides = array<i32>} : memref<512x64xf32, #tpu.memory_space<vmem>>, vector<1x16xf32>,
      %swap3A_188 = vector.shape_cast %swap3A_187 : vector<1x16xf32> to vector<16xf32>
      %swap3A_189 = vector.shape_cast %get3A_182 : vector<16xf32> to vector<1x16xf32>
      tpu.vector_store %arg7[%swap3A_185, %swap3A_186], %swap3A_189 {strides = array<i32>} : memref<512x64xf32, #tpu.memory_space<vmem>>, vector<1x16xf32>,
      %add3A_190 = arith.constant 16 : i32
      %add3A_191 = arith.addi %mul3A_177, %add3A_190 : i32
      %get3A_192 = arith.index_cast %add3A_191 : i32 to index
      %get3A_193 = tpu.vector_load %arg5[%get3A_192] {strides = array<i32>} : memref<32768xf32, #tpu.memory_space<vmem>>, vector<16xf32>,
      %get3A_194 = vector.shape_cast %get3A_193 : vector<16xf32> to vector<16xf32>
      %add3A_195 = arith.constant 2 : i32
      %add3A_196 = arith.addi %mul3A_64, %add3A_195 : i32
      %swap3A_197 = arith.index_cast %add3A_196 : i32 to index
      %swap3A_198 = arith.constant 16 : index
      %swap3A_199 = tpu.vector_load %arg7[%swap3A_197, %swap3A_198] {strides = array<i32>} : memref<512x64xf32, #tpu.memory_space<vmem>>, vector<1x16xf32>,
      %swap3A_200 = vector.shape_cast %swap3A_199 : vector<1x16xf32> to vector<16xf32>
      %swap3A_201 = vector.shape_cast %get3A_194 : vector<16xf32> to vector<1x16xf32>
      tpu.vector_store %arg7[%swap3A_197, %swap3A_198], %swap3A_201 {strides = array<i32>} : memref<512x64xf32, #tpu.memory_space<vmem>>, vector<1x16xf32>,
      %add3A_202 = arith.constant 32 : i32
      %add3A_203 = arith.addi %mul3A_177, %add3A_202 : i32
      %get3A_204 = arith.index_cast %add3A_203 : i32 to index
      %get3A_205 = tpu.vector_load %arg5[%get3A_204] {strides = array<i32>} : memref<32768xf32, #tpu.memory_space<vmem>>, vector<16xf32>,
      %get3A_206 = vector.shape_cast %get3A_205 : vector<16xf32> to vector<16xf32>
      %add3A_207 = arith.constant 2 : i32
      %add3A_208 = arith.addi %mul3A_64, %add3A_207 : i32
      %swap3A_209 = arith.index_cast %add3A_208 : i32 to index
      %swap3A_210 = arith.constant 32 : index
      %swap3A_211 = tpu.vector_load %arg7[%swap3A_209, %swap3A_210] {strides = array<i32>} : memref<512x64xf32, #tpu.memory_space<vmem>>, vector<1x16xf32>,
      %swap3A_212 = vector.shape_cast %swap3A_211 : vector<1x16xf32> to vector<16xf32>
      %swap3A_213 = vector.shape_cast %get3A_206 : vector<16xf32> to vector<1x16xf32>
      tpu.vector_store %arg7[%swap3A_209, %swap3A_210], %swap3A_213 {strides = array<i32>} : memref<512x64xf32, #tpu.memory_space<vmem>>, vector<1x16xf32>,
      %add3A_214 = arith.constant 48 : i32
      %add3A_215 = arith.addi %mul3A_177, %add3A_214 : i32
      %get3A_216 = arith.index_cast %add3A_215 : i32 to index
      %get3A_217 = tpu.vector_load %arg5[%get3A_216] {strides = array<i32>} : memref<32768xf32, #tpu.memory_space<vmem>>, vector<16xf32>,
      %get3A_218 = vector.shape_cast %get3A_217 : vector<16xf32> to vector<16xf32>
      %add3A_219 = arith.constant 2 : i32
      %add3A_220 = arith.addi %mul3A_64, %add3A_219 : i32
      %swap3A_221 = arith.index_cast %add3A_220 : i32 to index
      %swap3A_222 = arith.constant 48 : index
      %swap3A_223 = tpu.vector_load %arg7[%swap3A_221, %swap3A_222] {strides = array<i32>} : memref<512x64xf32, #tpu.memory_space<vmem>>, vector<1x16xf32>,
      %swap3A_224 = vector.shape_cast %swap3A_223 : vector<1x16xf32> to vector<16xf32>
      %swap3A_225 = vector.shape_cast %get3A_218 : vector<16xf32> to vector<1x16xf32>
      tpu.vector_store %arg7[%swap3A_221, %swap3A_222], %swap3A_225 {strides = array<i32>} : memref<512x64xf32, #tpu.memory_space<vmem>>, vector<1x16xf32>,
      %slice3A_226 = vector.extract_strided_slice %get3A_66 {offsets = [3], sizes = [1], strides = [1]} : vector<16xi32> to vector<1xi32>
      %squeeze3A_227 = vector.extract %slice3A_226[0] : i32 from vector<1xi32>
      %add3A_228 = arith.constant 4 : i32
      %add3A_229 = arith.addi %squeeze3A_227, %add3A_228 : i32
      %mul3A_230 = arith.constant 64 : i32
      %mul3A_231 = arith.muli %add3A_229, %mul3A_230 : i32
      %add3A_232 = arith.constant 0 : i32
      %add3A_233 = arith.addi %mul3A_231, %add3A_232 : i32
      %get3A_234 = arith.index_cast %add3A_233 : i32 to index
      %get3A_235 = tpu.vector_load %arg5[%get3A_234] {strides = array<i32>} : memref<32768xf32, #tpu.memory_space<vmem>>, vector<16xf32>,
      %get3A_236 = vector.shape_cast %get3A_235 : vector<16xf32> to vector<16xf32>
      %add3A_237 = arith.constant 3 : i32
      %add3A_238 = arith.addi %mul3A_64, %add3A_237 : i32
      %swap3A_239 = arith.index_cast %add3A_238 : i32 to index
      %swap3A_240 = arith.constant 0 : index
      %swap3A_241 = tpu.vector_load %arg7[%swap3A_239, %swap3A_240] {strides = array<i32>} : memref<512x64xf32, #tpu.memory_space<vmem>>, vector<1x16xf32>,
      %swap3A_242 = vector.shape_cast %swap3A_241 : vector<1x16xf32> to vector<16xf32>
      %swap3A_243 = vector.shape_cast %get3A_236 : vector<16xf32> to vector<1x16xf32>
      tpu.vector_store %arg7[%swap3A_239, %swap3A_240], %swap3A_243 {strides = array<i32>} : memref<512x64xf32, #tpu.memory_space<vmem>>, vector<1x16xf32>,
      %add3A_244 = arith.constant 16 : i32
      %add3A_245 = arith.addi %mul3A_231, %add3A_244 : i32
      %get3A_246 = arith.index_cast %add3A_245 : i32 to index
      %get3A_247 = tpu.vector_load %arg5[%get3A_246] {strides = array<i32>} : memref<32768xf32, #tpu.memory_space<vmem>>, vector<16xf32>,
      %get3A_248 = vector.shape_cast %get3A_247 : vector<16xf32> to vector<16xf32>
      %add3A_249 = arith.constant 3 : i32
      %add3A_250 = arith.addi %mul3A_64, %add3A_249 : i32
      %swap3A_251 = arith.index_cast %add3A_250 : i32 to index
      %swap3A_252 = arith.constant 16 : index
      %swap3A_253 = tpu.vector_load %arg7[%swap3A_251, %swap3A_252] {strides = array<i32>} : memref<512x64xf32, #tpu.memory_space<vmem>>, vector<1x16xf32>,
      %swap3A_254 = vector.shape_cast %swap3A_253 : vector<1x16xf32> to vector<16xf32>
      %swap3A_255 = vector.shape_cast %get3A_248 : vector<16xf32> to vector<1x16xf32>
      tpu.vector_store %arg7[%swap3A_251, %swap3A_252], %swap3A_255 {strides = array<i32>} : memref<512x64xf32, #tpu.memory_space<vmem>>, vector<1x16xf32>,
      %add3A_256 = arith.constant 32 : i32
      %add3A_257 = arith.addi %mul3A_231, %add3A_256 : i32
      %get3A_258 = arith.index_cast %add3A_257 : i32 to index
      %get3A_259 = tpu.vector_load %arg5[%get3A_258] {strides = array<i32>} : memref<32768xf32, #tpu.memory_space<vmem>>, vector<16xf32>,
      %get3A_260 = vector.shape_cast %get3A_259 : vector<16xf32> to vector<16xf32>
      %add3A_261 = arith.constant 3 : i32
      %add3A_262 = arith.addi %mul3A_64, %add3A_261 : i32
      %swap3A_263 = arith.index_cast %add3A_262 : i32 to index
      %swap3A_264 = arith.constant 32 : index
      %swap3A_265 = tpu.vector_load %arg7[%swap3A_263, %swap3A_264] {strides = array<i32>} : memref<512x64xf32, #tpu.memory_space<vmem>>, vector<1x16xf32>,
      %swap3A_266 = vector.shape_cast %swap3A_265 : vector<1x16xf32> to vector<16xf32>
      %swap3A_267 = vector.shape_cast %get3A_260 : vector<16xf32> to vector<1x16xf32>
      tpu.vector_store %arg7[%swap3A_263, %swap3A_264], %swap3A_267 {strides = array<i32>} : memref<512x64xf32, #tpu.memory_space<vmem>>, vector<1x16xf32>,
      %add3A_268 = arith.constant 48 : i32
      %add3A_269 = arith.addi %mul3A_231, %add3A_268 : i32
      %get3A_270 = arith.index_cast %add3A_269 : i32 to index
      %get3A_271 = tpu.vector_load %arg5[%get3A_270] {strides = array<i32>} : memref<32768xf32, #tpu.memory_space<vmem>>, vector<16xf32>,
      %get3A_272 = vector.shape_cast %get3A_271 : vector<16xf32> to vector<16xf32>
      %add3A_273 = arith.constant 3 : i32
      %add3A_274 = arith.addi %mul3A_64, %add3A_273 : i32
      %swap3A_275 = arith.index_cast %add3A_274 : i32 to index
      %swap3A_276 = arith.constant 48 : index
      %swap3A_277 = tpu.vector_load %arg7[%swap3A_275, %swap3A_276] {strides = array<i32>} : memref<512x64xf32, #tpu.memory_space<vmem>>, vector<1x16xf32>,
      %swap3A_278 = vector.shape_cast %swap3A_277 : vector<1x16xf32> to vector<16xf32>
      %swap3A_279 = vector.shape_cast %get3A_272 : vector<16xf32> to vector<1x16xf32>
      tpu.vector_store %arg7[%swap3A_275, %swap3A_276], %swap3A_279 {strides = array<i32>} : memref<512x64xf32, #tpu.memory_space<vmem>>, vector<1x16xf32>,
      %slice3A_280 = vector.extract_strided_slice %get3A_66 {offsets = [4], sizes = [1], strides = [1]} : vector<16xi32> to vector<1xi32>
      %squeeze3A_281 = vector.extract %slice3A_280[0] : i32 from vector<1xi32>
      %add3A_282 = arith.constant 4 : i32
      %add3A_283 = arith.addi %squeeze3A_281, %add3A_282 : i32
      %mul3A_284 = arith.constant 64 : i32
      %mul3A_285 = arith.muli %add3A_283, %mul3A_284 : i32
      %add3A_286 = arith.constant 0 : i32
      %add3A_287 = arith.addi %mul3A_285, %add3A_286 : i32
      %get3A_288 = arith.index_cast %add3A_287 : i32 to index
      %get3A_289 = tpu.vector_load %arg5[%get3A_288] {strides = array<i32>} : memref<32768xf32, #tpu.memory_space<vmem>>, vector<16xf32>,
      %get3A_290 = vector.shape_cast %get3A_289 : vector<16xf32> to vector<16xf32>
      %add3A_291 = arith.constant 4 : i32
      %add3A_292 = arith.addi %mul3A_64, %add3A_291 : i32
      %swap3A_293 = arith.index_cast %add3A_292 : i32 to index
      %swap3A_294 = arith.constant 0 : index
      %swap3A_295 = tpu.vector_load %arg7[%swap3A_293, %swap3A_294] {strides = array<i32>} : memref<512x64xf32, #tpu.memory_space<vmem>>, vector<1x16xf32>,
      %swap3A_296 = vector.shape_cast %swap3A_295 : vector<1x16xf32> to vector<16xf32>
      %swap3A_297 = vector.shape_cast %get3A_290 : vector<16xf32> to vector<1x16xf32>
      tpu.vector_store %arg7[%swap3A_293, %swap3A_294], %swap3A_297 {strides = array<i32>} : memref<512x64xf32, #tpu.memory_space<vmem>>, vector<1x16xf32>,
      %add3A_298 = arith.constant 16 : i32
      %add3A_299 = arith.addi %mul3A_285, %add3A_298 : i32
      %get3A_300 = arith.index_cast %add3A_299 : i32 to index
      %get3A_301 = tpu.vector_load %arg5[%get3A_300] {strides = array<i32>} : memref<32768xf32, #tpu.memory_space<vmem>>, vector<16xf32>,
      %get3A_302 = vector.shape_cast %get3A_301 : vector<16xf32> to vector<16xf32>
      %add3A_303 = arith.constant 4 : i32
      %add3A_304 = arith.addi %mul3A_64, %add3A_303 : i32
      %swap3A_305 = arith.index_cast %add3A_304 : i32 to index
      %swap3A_306 = arith.constant 16 : index
      %swap3A_307 = tpu.vector_load %arg7[%swap3A_305, %swap3A_306] {strides = array<i32>} : memref<512x64xf32, #tpu.memory_space<vmem>>, vector<1x16xf32>,
      %swap3A_308 = vector.shape_cast %swap3A_307 : vector<1x16xf32> to vector<16xf32>
      %swap3A_309 = vector.shape_cast %get3A_302 : vector<16xf32> to vector<1x16xf32>
      tpu.vector_store %arg7[%swap3A_305, %swap3A_306], %swap3A_309 {strides = array<i32>} : memref<512x64xf32, #tpu.memory_space<vmem>>, vector<1x16xf32>,
      %add3A_310 = arith.constant 32 : i32
      %add3A_311 = arith.addi %mul3A_285, %add3A_310 : i32
      %get3A_312 = arith.index_cast %add3A_311 : i32 to index
      %get3A_313 = tpu.vector_load %arg5[%get3A_312] {strides = array<i32>} : memref<32768xf32, #tpu.memory_space<vmem>>, vector<16xf32>,
      %get3A_314 = vector.shape_cast %get3A_313 : vector<16xf32> to vector<16xf32>
      %add3A_315 = arith.constant 4 : i32
      %add3A_316 = arith.addi %mul3A_64, %add3A_315 : i32
      %swap3A_317 = arith.index_cast %add3A_316 : i32 to index
      %swap3A_318 = arith.constant 32 : index
      %swap3A_319 = tpu.vector_load %arg7[%swap3A_317, %swap3A_318] {strides = array<i32>} : memref<512x64xf32, #tpu.memory_space<vmem>>, vector<1x16xf32>,
      %swap3A_320 = vector.shape_cast %swap3A_319 : vector<1x16xf32> to vector<16xf32>
      %swap3A_321 = vector.shape_cast %get3A_314 : vector<16xf32> to vector<1x16xf32>
      tpu.vector_store %arg7[%swap3A_317, %swap3A_318], %swap3A_321 {strides = array<i32>} : memref<512x64xf32, #tpu.memory_space<vmem>>, vector<1x16xf32>,
      %add3A_322 = arith.constant 48 : i32
      %add3A_323 = arith.addi %mul3A_285, %add3A_322 : i32
      %get3A_324 = arith.index_cast %add3A_323 : i32 to index
      %get3A_325 = tpu.vector_load %arg5[%get3A_324] {strides = array<i32>} : memref<32768xf32, #tpu.memory_space<vmem>>, vector<16xf32>,
      %get3A_326 = vector.shape_cast %get3A_325 : vector<16xf32> to vector<16xf32>
      %add3A_327 = arith.constant 4 : i32
      %add3A_328 = arith.addi %mul3A_64, %add3A_327 : i32
      %swap3A_329 = arith.index_cast %add3A_328 : i32 to index
      %swap3A_330 = arith.constant 48 : index
      %swap3A_331 = tpu.vector_load %arg7[%swap3A_329, %swap3A_330] {strides = array<i32>} : memref<512x64xf32, #tpu.memory_space<vmem>>, vector<1x16xf32>,
      %swap3A_332 = vector.shape_cast %swap3A_331 : vector<1x16xf32> to vector<16xf32>
      %swap3A_333 = vector.shape_cast %get3A_326 : vector<16xf32> to vector<1x16xf32>
      tpu.vector_store %arg7[%swap3A_329, %swap3A_330], %swap3A_333 {strides = array<i32>} : memref<512x64xf32, #tpu.memory_space<vmem>>, vector<1x16xf32>,
      %slice3A_334 = vector.extract_strided_slice %get3A_66 {offsets = [5], sizes = [1], strides = [1]} : vector<16xi32> to vector<1xi32>
      %squeeze3A_335 = vector.extract %slice3A_334[0] : i32 from vector<1xi32>
      %add3A_336 = arith.constant 4 : i32
      %add3A_337 = arith.addi %squeeze3A_335, %add3A_336 : i32
      %mul3A_338 = arith.constant 64 : i32
      %mul3A_339 = arith.muli %add3A_337, %mul3A_338 : i32
      %add3A_340 = arith.constant 0 : i32
      %add3A_341 = arith.addi %mul3A_339, %add3A_340 : i32
      %get3A_342 = arith.index_cast %add3A_341 : i32 to index
      %get3A_343 = tpu.vector_load %arg5[%get3A_342] {strides = array<i32>} : memref<32768xf32, #tpu.memory_space<vmem>>, vector<16xf32>,
      %get3A_344 = vector.shape_cast %get3A_343 : vector<16xf32> to vector<16xf32>
      %add3A_345 = arith.constant 5 : i32
      %add3A_346 = arith.addi %mul3A_64, %add3A_345 : i32
      %swap3A_347 = arith.index_cast %add3A_346 : i32 to index
      %swap3A_348 = arith.constant 0 : index
      %swap3A_349 = tpu.vector_load %arg7[%swap3A_347, %swap3A_348] {strides = array<i32>} : memref<512x64xf32, #tpu.memory_space<vmem>>, vector<1x16xf32>,
      %swap3A_350 = vector.shape_cast %swap3A_349 : vector<1x16xf32> to vector<16xf32>
      %swap3A_351 = vector.shape_cast %get3A_344 : vector<16xf32> to vector<1x16xf32>
      tpu.vector_store %arg7[%swap3A_347, %swap3A_348], %swap3A_351 {strides = array<i32>} : memref<512x64xf32, #tpu.memory_space<vmem>>, vector<1x16xf32>,
      %add3A_352 = arith.constant 16 : i32
      %add3A_353 = arith.addi %mul3A_339, %add3A_352 : i32
      %get3A_354 = arith.index_cast %add3A_353 : i32 to index
      %get3A_355 = tpu.vector_load %arg5[%get3A_354] {strides = array<i32>} : memref<32768xf32, #tpu.memory_space<vmem>>, vector<16xf32>,
      %get3A_356 = vector.shape_cast %get3A_355 : vector<16xf32> to vector<16xf32>
      %add3A_357 = arith.constant 5 : i32
      %add3A_358 = arith.addi %mul3A_64, %add3A_357 : i32
      %swap3A_359 = arith.index_cast %add3A_358 : i32 to index
      %swap3A_360 = arith.constant 16 : index
      %swap3A_361 = tpu.vector_load %arg7[%swap3A_359, %swap3A_360] {strides = array<i32>} : memref<512x64xf32, #tpu.memory_space<vmem>>, vector<1x16xf32>,
      %swap3A_362 = vector.shape_cast %swap3A_361 : vector<1x16xf32> to vector<16xf32>
      %swap3A_363 = vector.shape_cast %get3A_356 : vector<16xf32> to vector<1x16xf32>
      tpu.vector_store %arg7[%swap3A_359, %swap3A_360], %swap3A_363 {strides = array<i32>} : memref<512x64xf32, #tpu.memory_space<vmem>>, vector<1x16xf32>,
      %add3A_364 = arith.constant 32 : i32
      %add3A_365 = arith.addi %mul3A_339, %add3A_364 : i32
      %get3A_366 = arith.index_cast %add3A_365 : i32 to index
      %get3A_367 = tpu.vector_load %arg5[%get3A_366] {strides = array<i32>} : memref<32768xf32, #tpu.memory_space<vmem>>, vector<16xf32>,
      %get3A_368 = vector.shape_cast %get3A_367 : vector<16xf32> to vector<16xf32>
      %add3A_369 = arith.constant 5 : i32
      %add3A_370 = arith.addi %mul3A_64, %add3A_369 : i32
      %swap3A_371 = arith.index_cast %add3A_370 : i32 to index
      %swap3A_372 = arith.constant 32 : index
      %swap3A_373 = tpu.vector_load %arg7[%swap3A_371, %swap3A_372] {strides = array<i32>} : memref<512x64xf32, #tpu.memory_space<vmem>>, vector<1x16xf32>,
      %swap3A_374 = vector.shape_cast %swap3A_373 : vector<1x16xf32> to vector<16xf32>
      %swap3A_375 = vector.shape_cast %get3A_368 : vector<16xf32> to vector<1x16xf32>
      tpu.vector_store %arg7[%swap3A_371, %swap3A_372], %swap3A_375 {strides = array<i32>} : memref<512x64xf32, #tpu.memory_space<vmem>>, vector<1x16xf32>,
      %add3A_376 = arith.constant 48 : i32
      %add3A_377 = arith.addi %mul3A_339, %add3A_376 : i32
      %get3A_378 = arith.index_cast %add3A_377 : i32 to index
      %get3A_379 = tpu.vector_load %arg5[%get3A_378] {strides = array<i32>} : memref<32768xf32, #tpu.memory_space<vmem>>, vector<16xf32>,
      %get3A_380 = vector.shape_cast %get3A_379 : vector<16xf32> to vector<16xf32>
      %add3A_381 = arith.constant 5 : i32
      %add3A_382 = arith.addi %mul3A_64, %add3A_381 : i32
      %swap3A_383 = arith.index_cast %add3A_382 : i32 to index
      %swap3A_384 = arith.constant 48 : index
      %swap3A_385 = tpu.vector_load %arg7[%swap3A_383, %swap3A_384] {strides = array<i32>} : memref<512x64xf32, #tpu.memory_space<vmem>>, vector<1x16xf32>,
      %swap3A_386 = vector.shape_cast %swap3A_385 : vector<1x16xf32> to vector<16xf32>
      %swap3A_387 = vector.shape_cast %get3A_380 : vector<16xf32> to vector<1x16xf32>
      tpu.vector_store %arg7[%swap3A_383, %swap3A_384], %swap3A_387 {strides = array<i32>} : memref<512x64xf32, #tpu.memory_space<vmem>>, vector<1x16xf32>,
      %slice3A_388 = vector.extract_strided_slice %get3A_66 {offsets = [6], sizes = [1], strides = [1]} : vector<16xi32> to vector<1xi32>
      %squeeze3A_389 = vector.extract %slice3A_388[0] : i32 from vector<1xi32>
      %add3A_390 = arith.constant 4 : i32
      %add3A_391 = arith.addi %squeeze3A_389, %add3A_390 : i32
      %mul3A_392 = arith.constant 64 : i32
      %mul3A_393 = arith.muli %add3A_391, %mul3A_392 : i32
      %add3A_394 = arith.constant 0 : i32
      %add3A_395 = arith.addi %mul3A_393, %add3A_394 : i32
      %get3A_396 = arith.index_cast %add3A_395 : i32 to index
      %get3A_397 = tpu.vector_load %arg5[%get3A_396] {strides = array<i32>} : memref<32768xf32, #tpu.memory_space<vmem>>, vector<16xf32>,
      %get3A_398 = vector.shape_cast %get3A_397 : vector<16xf32> to vector<16xf32>
      %add3A_399 = arith.constant 6 : i32
      %add3A_400 = arith.addi %mul3A_64, %add3A_399 : i32
      %swap3A_401 = arith.index_cast %add3A_400 : i32 to index
      %swap3A_402 = arith.constant 0 : index
      %swap3A_403 = tpu.vector_load %arg7[%swap3A_401, %swap3A_402] {strides = array<i32>} : memref<512x64xf32, #tpu.memory_space<vmem>>, vector<1x16xf32>,
      %swap3A_404 = vector.shape_cast %swap3A_403 : vector<1x16xf32> to vector<16xf32>
      %swap3A_405 = vector.shape_cast %get3A_398 : vector<16xf32> to vector<1x16xf32>
      tpu.vector_store %arg7[%swap3A_401, %swap3A_402], %swap3A_405 {strides = array<i32>} : memref<512x64xf32, #tpu.memory_space<vmem>>, vector<1x16xf32>,
      %add3A_406 = arith.constant 16 : i32
      %add3A_407 = arith.addi %mul3A_393, %add3A_406 : i32
      %get3A_408 = arith.index_cast %add3A_407 : i32 to index
      %get3A_409 = tpu.vector_load %arg5[%get3A_408] {strides = array<i32>} : memref<32768xf32, #tpu.memory_space<vmem>>, vector<16xf32>,
      %get3A_410 = vector.shape_cast %get3A_409 : vector<16xf32> to vector<16xf32>
      %add3A_411 = arith.constant 6 : i32
      %add3A_412 = arith.addi %mul3A_64, %add3A_411 : i32
      %swap3A_413 = arith.index_cast %add3A_412 : i32 to index
      %swap3A_414 = arith.constant 16 : index
      %swap3A_415 = tpu.vector_load %arg7[%swap3A_413, %swap3A_414] {strides = array<i32>} : memref<512x64xf32, #tpu.memory_space<vmem>>, vector<1x16xf32>,
      %swap3A_416 = vector.shape_cast %swap3A_415 : vector<1x16xf32> to vector<16xf32>
      %swap3A_417 = vector.shape_cast %get3A_410 : vector<16xf32> to vector<1x16xf32>
      tpu.vector_store %arg7[%swap3A_413, %swap3A_414], %swap3A_417 {strides = array<i32>} : memref<512x64xf32, #tpu.memory_space<vmem>>, vector<1x16xf32>,
      %add3A_418 = arith.constant 32 : i32
      %add3A_419 = arith.addi %mul3A_393, %add3A_418 : i32
      %get3A_420 = arith.index_cast %add3A_419 : i32 to index
      %get3A_421 = tpu.vector_load %arg5[%get3A_420] {strides = array<i32>} : memref<32768xf32, #tpu.memory_space<vmem>>, vector<16xf32>,
      %get3A_422 = vector.shape_cast %get3A_421 : vector<16xf32> to vector<16xf32>
      %add3A_423 = arith.constant 6 : i32
      %add3A_424 = arith.addi %mul3A_64, %add3A_423 : i32
      %swap3A_425 = arith.index_cast %add3A_424 : i32 to index
      %swap3A_426 = arith.constant 32 : index
      %swap3A_427 = tpu.vector_load %arg7[%swap3A_425, %swap3A_426] {strides = array<i32>} : memref<512x64xf32, #tpu.memory_space<vmem>>, vector<1x16xf32>,
      %swap3A_428 = vector.shape_cast %swap3A_427 : vector<1x16xf32> to vector<16xf32>
      %swap3A_429 = vector.shape_cast %get3A_422 : vector<16xf32> to vector<1x16xf32>
      tpu.vector_store %arg7[%swap3A_425, %swap3A_426], %swap3A_429 {strides = array<i32>} : memref<512x64xf32, #tpu.memory_space<vmem>>, vector<1x16xf32>,
      %add3A_430 = arith.constant 48 : i32
      %add3A_431 = arith.addi %mul3A_393, %add3A_430 : i32
      %get3A_432 = arith.index_cast %add3A_431 : i32 to index
      %get3A_433 = tpu.vector_load %arg5[%get3A_432] {strides = array<i32>} : memref<32768xf32, #tpu.memory_space<vmem>>, vector<16xf32>,
      %get3A_434 = vector.shape_cast %get3A_433 : vector<16xf32> to vector<16xf32>
      %add3A_435 = arith.constant 6 : i32
      %add3A_436 = arith.addi %mul3A_64, %add3A_435 : i32
      %swap3A_437 = arith.index_cast %add3A_436 : i32 to index
      %swap3A_438 = arith.constant 48 : index
      %swap3A_439 = tpu.vector_load %arg7[%swap3A_437, %swap3A_438] {strides = array<i32>} : memref<512x64xf32, #tpu.memory_space<vmem>>, vector<1x16xf32>,
      %swap3A_440 = vector.shape_cast %swap3A_439 : vector<1x16xf32> to vector<16xf32>
      %swap3A_441 = vector.shape_cast %get3A_434 : vector<16xf32> to vector<1x16xf32>
      tpu.vector_store %arg7[%swap3A_437, %swap3A_438], %swap3A_441 {strides = array<i32>} : memref<512x64xf32, #tpu.memory_space<vmem>>, vector<1x16xf32>,
      %slice3A_442 = vector.extract_strided_slice %get3A_66 {offsets = [7], sizes = [1], strides = [1]} : vector<16xi32> to vector<1xi32>
      %squeeze3A_443 = vector.extract %slice3A_442[0] : i32 from vector<1xi32>
      %add3A_444 = arith.constant 4 : i32
      %add3A_445 = arith.addi %squeeze3A_443, %add3A_444 : i32
      %mul3A_446 = arith.constant 64 : i32
      %mul3A_447 = arith.muli %add3A_445, %mul3A_446 : i32
      %add3A_448 = arith.constant 0 : i32
      %add3A_449 = arith.addi %mul3A_447, %add3A_448 : i32
      %get3A_450 = arith.index_cast %add3A_449 : i32 to index
      %get3A_451 = tpu.vector_load %arg5[%get3A_450] {strides = array<i32>} : memref<32768xf32, #tpu.memory_space<vmem>>, vector<16xf32>,
      %get3A_452 = vector.shape_cast %get3A_451 : vector<16xf32> to vector<16xf32>
      %add3A_453 = arith.constant 7 : i32
      %add3A_454 = arith.addi %mul3A_64, %add3A_453 : i32
      %swap3A_455 = arith.index_cast %add3A_454 : i32 to index
      %swap3A_456 = arith.constant 0 : index
      %swap3A_457 = tpu.vector_load %arg7[%swap3A_455, %swap3A_456] {strides = array<i32>} : memref<512x64xf32, #tpu.memory_space<vmem>>, vector<1x16xf32>,
      %swap3A_458 = vector.shape_cast %swap3A_457 : vector<1x16xf32> to vector<16xf32>
      %swap3A_459 = vector.shape_cast %get3A_452 : vector<16xf32> to vector<1x16xf32>
      tpu.vector_store %arg7[%swap3A_455, %swap3A_456], %swap3A_459 {strides = array<i32>} : memref<512x64xf32, #tpu.memory_space<vmem>>, vector<1x16xf32>,
      %add3A_460 = arith.constant 16 : i32
      %add3A_461 = arith.addi %mul3A_447, %add3A_460 : i32
      %get3A_462 = arith.index_cast %add3A_461 : i32 to index
      %get3A_463 = tpu.vector_load %arg5[%get3A_462] {strides = array<i32>} : memref<32768xf32, #tpu.memory_space<vmem>>, vector<16xf32>,
      %get3A_464 = vector.shape_cast %get3A_463 : vector<16xf32> to vector<16xf32>
      %add3A_465 = arith.constant 7 : i32
      %add3A_466 = arith.addi %mul3A_64, %add3A_465 : i32
      %swap3A_467 = arith.index_cast %add3A_466 : i32 to index
      %swap3A_468 = arith.constant 16 : index
      %swap3A_469 = tpu.vector_load %arg7[%swap3A_467, %swap3A_468] {strides = array<i32>} : memref<512x64xf32, #tpu.memory_space<vmem>>, vector<1x16xf32>,
      %swap3A_470 = vector.shape_cast %swap3A_469 : vector<1x16xf32> to vector<16xf32>
      %swap3A_471 = vector.shape_cast %get3A_464 : vector<16xf32> to vector<1x16xf32>
      tpu.vector_store %arg7[%swap3A_467, %swap3A_468], %swap3A_471 {strides = array<i32>} : memref<512x64xf32, #tpu.memory_space<vmem>>, vector<1x16xf32>,
      %add3A_472 = arith.constant 32 : i32
      %add3A_473 = arith.addi %mul3A_447, %add3A_472 : i32
      %get3A_474 = arith.index_cast %add3A_473 : i32 to index
      %get3A_475 = tpu.vector_load %arg5[%get3A_474] {strides = array<i32>} : memref<32768xf32, #tpu.memory_space<vmem>>, vector<16xf32>,
      %get3A_476 = vector.shape_cast %get3A_475 : vector<16xf32> to vector<16xf32>
      %add3A_477 = arith.constant 7 : i32
      %add3A_478 = arith.addi %mul3A_64, %add3A_477 : i32
      %swap3A_479 = arith.index_cast %add3A_478 : i32 to index
      %swap3A_480 = arith.constant 32 : index
      %swap3A_481 = tpu.vector_load %arg7[%swap3A_479, %swap3A_480] {strides = array<i32>} : memref<512x64xf32, #tpu.memory_space<vmem>>, vector<1x16xf32>,
      %swap3A_482 = vector.shape_cast %swap3A_481 : vector<1x16xf32> to vector<16xf32>
      %swap3A_483 = vector.shape_cast %get3A_476 : vector<16xf32> to vector<1x16xf32>
      tpu.vector_store %arg7[%swap3A_479, %swap3A_480], %swap3A_483 {strides = array<i32>} : memref<512x64xf32, #tpu.memory_space<vmem>>, vector<1x16xf32>,
      %add3A_484 = arith.constant 48 : i32
      %add3A_485 = arith.addi %mul3A_447, %add3A_484 : i32
      %get3A_486 = arith.index_cast %add3A_485 : i32 to index
      %get3A_487 = tpu.vector_load %arg5[%get3A_486] {strides = array<i32>} : memref<32768xf32, #tpu.memory_space<vmem>>, vector<16xf32>,
      %get3A_488 = vector.shape_cast %get3A_487 : vector<16xf32> to vector<16xf32>
      %add3A_489 = arith.constant 7 : i32
      %add3A_490 = arith.addi %mul3A_64, %add3A_489 : i32
      %swap3A_491 = arith.index_cast %add3A_490 : i32 to index
      %swap3A_492 = arith.constant 48 : index
      %swap3A_493 = tpu.vector_load %arg7[%swap3A_491, %swap3A_492] {strides = array<i32>} : memref<512x64xf32, #tpu.memory_space<vmem>>, vector<1x16xf32>,
      %swap3A_494 = vector.shape_cast %swap3A_493 : vector<1x16xf32> to vector<16xf32>
      %swap3A_495 = vector.shape_cast %get3A_488 : vector<16xf32> to vector<1x16xf32>
      tpu.vector_store %arg7[%swap3A_491, %swap3A_492], %swap3A_495 {strides = array<i32>} : memref<512x64xf32, #tpu.memory_space<vmem>>, vector<1x16xf32>,
      %slice3A_496 = vector.extract_strided_slice %get3A_66 {offsets = [8], sizes = [1], strides = [1]} : vector<16xi32> to vector<1xi32>
      %squeeze3A_497 = vector.extract %slice3A_496[0] : i32 from vector<1xi32>
      %add3A_498 = arith.constant 4 : i32
      %add3A_499 = arith.addi %squeeze3A_497, %add3A_498 : i32
      %mul3A_500 = arith.constant 64 : i32
      %mul3A_501 = arith.muli %add3A_499, %mul3A_500 : i32
      %add3A_502 = arith.constant 0 : i32
      %add3A_503 = arith.addi %mul3A_501, %add3A_502 : i32
      %get3A_504 = arith.index_cast %add3A_503 : i32 to index
      %get3A_505 = tpu.vector_load %arg5[%get3A_504] {strides = array<i32>} : memref<32768xf32, #tpu.memory_space<vmem>>, vector<16xf32>,
      %get3A_506 = vector.shape_cast %get3A_505 : vector<16xf32> to vector<16xf32>
      %add3A_507 = arith.constant 8 : i32
      %add3A_508 = arith.addi %mul3A_64, %add3A_507 : i32
      %swap3A_509 = arith.index_cast %add3A_508 : i32 to index
      %swap3A_510 = arith.constant 0 : index
      %swap3A_511 = tpu.vector_load %arg7[%swap3A_509, %swap3A_510] {strides = array<i32>} : memref<512x64xf32, #tpu.memory_space<vmem>>, vector<1x16xf32>,
      %swap3A_512 = vector.shape_cast %swap3A_511 : vector<1x16xf32> to vector<16xf32>
      %swap3A_513 = vector.shape_cast %get3A_506 : vector<16xf32> to vector<1x16xf32>
      tpu.vector_store %arg7[%swap3A_509, %swap3A_510], %swap3A_513 {strides = array<i32>} : memref<512x64xf32, #tpu.memory_space<vmem>>, vector<1x16xf32>,
      %add3A_514 = arith.constant 16 : i32
      %add3A_515 = arith.addi %mul3A_501, %add3A_514 : i32
      %get3A_516 = arith.index_cast %add3A_515 : i32 to index
      %get3A_517 = tpu.vector_load %arg5[%get3A_516] {strides = array<i32>} : memref<32768xf32, #tpu.memory_space<vmem>>, vector<16xf32>,
      %get3A_518 = vector.shape_cast %get3A_517 : vector<16xf32> to vector<16xf32>
      %add3A_519 = arith.constant 8 : i32
      %add3A_520 = arith.addi %mul3A_64, %add3A_519 : i32
      %swap3A_521 = arith.index_cast %add3A_520 : i32 to index
      %swap3A_522 = arith.constant 16 : index
      %swap3A_523 = tpu.vector_load %arg7[%swap3A_521, %swap3A_522] {strides = array<i32>} : memref<512x64xf32, #tpu.memory_space<vmem>>, vector<1x16xf32>,
      %swap3A_524 = vector.shape_cast %swap3A_523 : vector<1x16xf32> to vector<16xf32>
      %swap3A_525 = vector.shape_cast %get3A_518 : vector<16xf32> to vector<1x16xf32>
      tpu.vector_store %arg7[%swap3A_521, %swap3A_522], %swap3A_525 {strides = array<i32>} : memref<512x64xf32, #tpu.memory_space<vmem>>, vector<1x16xf32>,
      %add3A_526 = arith.constant 32 : i32
      %add3A_527 = arith.addi %mul3A_501, %add3A_526 : i32
      %get3A_528 = arith.index_cast %add3A_527 : i32 to index
      %get3A_529 = tpu.vector_load %arg5[%get3A_528] {strides = array<i32>} : memref<32768xf32, #tpu.memory_space<vmem>>, vector<16xf32>,
      %get3A_530 = vector.shape_cast %get3A_529 : vector<16xf32> to vector<16xf32>
      %add3A_531 = arith.constant 8 : i32
      %add3A_532 = arith.addi %mul3A_64, %add3A_531 : i32
      %swap3A_533 = arith.index_cast %add3A_532 : i32 to index
      %swap3A_534 = arith.constant 32 : index
      %swap3A_535 = tpu.vector_load %arg7[%swap3A_533, %swap3A_534] {strides = array<i32>} : memref<512x64xf32, #tpu.memory_space<vmem>>, vector<1x16xf32>,
      %swap3A_536 = vector.shape_cast %swap3A_535 : vector<1x16xf32> to vector<16xf32>
      %swap3A_537 = vector.shape_cast %get3A_530 : vector<16xf32> to vector<1x16xf32>
      tpu.vector_store %arg7[%swap3A_533, %swap3A_534], %swap3A_537 {strides = array<i32>} : memref<512x64xf32, #tpu.memory_space<vmem>>, vector<1x16xf32>,
      %add3A_538 = arith.constant 48 : i32
      %add3A_539 = arith.addi %mul3A_501, %add3A_538 : i32
      %get3A_540 = arith.index_cast %add3A_539 : i32 to index
      %get3A_541 = tpu.vector_load %arg5[%get3A_540] {strides = array<i32>} : memref<32768xf32, #tpu.memory_space<vmem>>, vector<16xf32>,
      %get3A_542 = vector.shape_cast %get3A_541 : vector<16xf32> to vector<16xf32>
      %add3A_543 = arith.constant 8 : i32
      %add3A_544 = arith.addi %mul3A_64, %add3A_543 : i32
      %swap3A_545 = arith.index_cast %add3A_544 : i32 to index
      %swap3A_546 = arith.constant 48 : index
      %swap3A_547 = tpu.vector_load %arg7[%swap3A_545, %swap3A_546] {strides = array<i32>} : memref<512x64xf32, #tpu.memory_space<vmem>>, vector<1x16xf32>,
      %swap3A_548 = vector.shape_cast %swap3A_547 : vector<1x16xf32> to vector<16xf32>
      %swap3A_549 = vector.shape_cast %get3A_542 : vector<16xf32> to vector<1x16xf32>
      tpu.vector_store %arg7[%swap3A_545, %swap3A_546], %swap3A_549 {strides = array<i32>} : memref<512x64xf32, #tpu.memory_space<vmem>>, vector<1x16xf32>,
      %slice3A_550 = vector.extract_strided_slice %get3A_66 {offsets = [9], sizes = [1], strides = [1]} : vector<16xi32> to vector<1xi32>
      %squeeze3A_551 = vector.extract %slice3A_550[0] : i32 from vector<1xi32>
      %add3A_552 = arith.constant 4 : i32
      %add3A_553 = arith.addi %squeeze3A_551, %add3A_552 : i32
      %mul3A_554 = arith.constant 64 : i32
      %mul3A_555 = arith.muli %add3A_553, %mul3A_554 : i32
      %add3A_556 = arith.constant 0 : i32
      %add3A_557 = arith.addi %mul3A_555, %add3A_556 : i32
      %get3A_558 = arith.index_cast %add3A_557 : i32 to index
      %get3A_559 = tpu.vector_load %arg5[%get3A_558] {strides = array<i32>} : memref<32768xf32, #tpu.memory_space<vmem>>, vector<16xf32>,
      %get3A_560 = vector.shape_cast %get3A_559 : vector<16xf32> to vector<16xf32>
      %add3A_561 = arith.constant 9 : i32
      %add3A_562 = arith.addi %mul3A_64, %add3A_561 : i32
      %swap3A_563 = arith.index_cast %add3A_562 : i32 to index
      %swap3A_564 = arith.constant 0 : index
      %swap3A_565 = tpu.vector_load %arg7[%swap3A_563, %swap3A_564] {strides = array<i32>} : memref<512x64xf32, #tpu.memory_space<vmem>>, vector<1x16xf32>,
      %swap3A_566 = vector.shape_cast %swap3A_565 : vector<1x16xf32> to vector<16xf32>
      %swap3A_567 = vector.shape_cast %get3A_560 : vector<16xf32> to vector<1x16xf32>
      tpu.vector_store %arg7[%swap3A_563, %swap3A_564], %swap3A_567 {strides = array<i32>} : memref<512x64xf32, #tpu.memory_space<vmem>>, vector<1x16xf32>,
      %add3A_568 = arith.constant 16 : i32
      %add3A_569 = arith.addi %mul3A_555, %add3A_568 : i32
      %get3A_570 = arith.index_cast %add3A_569 : i32 to index
      %get3A_571 = tpu.vector_load %arg5[%get3A_570] {strides = array<i32>} : memref<32768xf32, #tpu.memory_space<vmem>>, vector<16xf32>,
      %get3A_572 = vector.shape_cast %get3A_571 : vector<16xf32> to vector<16xf32>
      %add3A_573 = arith.constant 9 : i32
      %add3A_574 = arith.addi %mul3A_64, %add3A_573 : i32
      %swap3A_575 = arith.index_cast %add3A_574 : i32 to index
      %swap3A_576 = arith.constant 16 : index
      %swap3A_577 = tpu.vector_load %arg7[%swap3A_575, %swap3A_576] {strides = array<i32>} : memref<512x64xf32, #tpu.memory_space<vmem>>, vector<1x16xf32>,
      %swap3A_578 = vector.shape_cast %swap3A_577 : vector<1x16xf32> to vector<16xf32>
      %swap3A_579 = vector.shape_cast %get3A_572 : vector<16xf32> to vector<1x16xf32>
      tpu.vector_store %arg7[%swap3A_575, %swap3A_576], %swap3A_579 {strides = array<i32>} : memref<512x64xf32, #tpu.memory_space<vmem>>, vector<1x16xf32>,
      %add3A_580 = arith.constant 32 : i32
      %add3A_581 = arith.addi %mul3A_555, %add3A_580 : i32
      %get3A_582 = arith.index_cast %add3A_581 : i32 to index
      %get3A_583 = tpu.vector_load %arg5[%get3A_582] {strides = array<i32>} : memref<32768xf32, #tpu.memory_space<vmem>>, vector<16xf32>,
      %get3A_584 = vector.shape_cast %get3A_583 : vector<16xf32> to vector<16xf32>
      %add3A_585 = arith.constant 9 : i32
      %add3A_586 = arith.addi %mul3A_64, %add3A_585 : i32
      %swap3A_587 = arith.index_cast %add3A_586 : i32 to index
      %swap3A_588 = arith.constant 32 : index
      %swap3A_589 = tpu.vector_load %arg7[%swap3A_587, %swap3A_588] {strides = array<i32>} : memref<512x64xf32, #tpu.memory_space<vmem>>, vector<1x16xf32>,
      %swap3A_590 = vector.shape_cast %swap3A_589 : vector<1x16xf32> to vector<16xf32>
      %swap3A_591 = vector.shape_cast %get3A_584 : vector<16xf32> to vector<1x16xf32>
      tpu.vector_store %arg7[%swap3A_587, %swap3A_588], %swap3A_591 {strides = array<i32>} : memref<512x64xf32, #tpu.memory_space<vmem>>, vector<1x16xf32>,
      %add3A_592 = arith.constant 48 : i32
      %add3A_593 = arith.addi %mul3A_555, %add3A_592 : i32
      %get3A_594 = arith.index_cast %add3A_593 : i32 to index
      %get3A_595 = tpu.vector_load %arg5[%get3A_594] {strides = array<i32>} : memref<32768xf32, #tpu.memory_space<vmem>>, vector<16xf32>,
      %get3A_596 = vector.shape_cast %get3A_595 : vector<16xf32> to vector<16xf32>
      %add3A_597 = arith.constant 9 : i32
      %add3A_598 = arith.addi %mul3A_64, %add3A_597 : i32
      %swap3A_599 = arith.index_cast %add3A_598 : i32 to index
      %swap3A_600 = arith.constant 48 : index
      %swap3A_601 = tpu.vector_load %arg7[%swap3A_599, %swap3A_600] {strides = array<i32>} : memref<512x64xf32, #tpu.memory_space<vmem>>, vector<1x16xf32>,
      %swap3A_602 = vector.shape_cast %swap3A_601 : vector<1x16xf32> to vector<16xf32>
      %swap3A_603 = vector.shape_cast %get3A_596 : vector<16xf32> to vector<1x16xf32>
      tpu.vector_store %arg7[%swap3A_599, %swap3A_600], %swap3A_603 {strides = array<i32>} : memref<512x64xf32, #tpu.memory_space<vmem>>, vector<1x16xf32>,
      %slice3A_604 = vector.extract_strided_slice %get3A_66 {offsets = [10], sizes = [1], strides = [1]} : vector<16xi32> to vector<1xi32>
      %squeeze3A_605 = vector.extract %slice3A_604[0] : i32 from vector<1xi32>
      %add3A_606 = arith.constant 4 : i32
      %add3A_607 = arith.addi %squeeze3A_605, %add3A_606 : i32
      %mul3A_608 = arith.constant 64 : i32
      %mul3A_609 = arith.muli %add3A_607, %mul3A_608 : i32
      %add3A_610 = arith.constant 0 : i32
      %add3A_611 = arith.addi %mul3A_609, %add3A_610 : i32
      %get3A_612 = arith.index_cast %add3A_611 : i32 to index
      %get3A_613 = tpu.vector_load %arg5[%get3A_612] {strides = array<i32>} : memref<32768xf32, #tpu.memory_space<vmem>>, vector<16xf32>,
      %get3A_614 = vector.shape_cast %get3A_613 : vector<16xf32> to vector<16xf32>
      %add3A_615 = arith.constant 10 : i32
      %add3A_616 = arith.addi %mul3A_64, %add3A_615 : i32
      %swap3A_617 = arith.index_cast %add3A_616 : i32 to index
      %swap3A_618 = arith.constant 0 : index
      %swap3A_619 = tpu.vector_load %arg7[%swap3A_617, %swap3A_618] {strides = array<i32>} : memref<512x64xf32, #tpu.memory_space<vmem>>, vector<1x16xf32>,
      %swap3A_620 = vector.shape_cast %swap3A_619 : vector<1x16xf32> to vector<16xf32>
      %swap3A_621 = vector.shape_cast %get3A_614 : vector<16xf32> to vector<1x16xf32>
      tpu.vector_store %arg7[%swap3A_617, %swap3A_618], %swap3A_621 {strides = array<i32>} : memref<512x64xf32, #tpu.memory_space<vmem>>, vector<1x16xf32>,
      %add3A_622 = arith.constant 16 : i32
      %add3A_623 = arith.addi %mul3A_609, %add3A_622 : i32
      %get3A_624 = arith.index_cast %add3A_623 : i32 to index
      %get3A_625 = tpu.vector_load %arg5[%get3A_624] {strides = array<i32>} : memref<32768xf32, #tpu.memory_space<vmem>>, vector<16xf32>,
      %get3A_626 = vector.shape_cast %get3A_625 : vector<16xf32> to vector<16xf32>
      %add3A_627 = arith.constant 10 : i32
      %add3A_628 = arith.addi %mul3A_64, %add3A_627 : i32
      %swap3A_629 = arith.index_cast %add3A_628 : i32 to index
      %swap3A_630 = arith.constant 16 : index
      %swap3A_631 = tpu.vector_load %arg7[%swap3A_629, %swap3A_630] {strides = array<i32>} : memref<512x64xf32, #tpu.memory_space<vmem>>, vector<1x16xf32>,
      %swap3A_632 = vector.shape_cast %swap3A_631 : vector<1x16xf32> to vector<16xf32>
      %swap3A_633 = vector.shape_cast %get3A_626 : vector<16xf32> to vector<1x16xf32>
      tpu.vector_store %arg7[%swap3A_629, %swap3A_630], %swap3A_633 {strides = array<i32>} : memref<512x64xf32, #tpu.memory_space<vmem>>, vector<1x16xf32>,
      %add3A_634 = arith.constant 32 : i32
      %add3A_635 = arith.addi %mul3A_609, %add3A_634 : i32
      %get3A_636 = arith.index_cast %add3A_635 : i32 to index
      %get3A_637 = tpu.vector_load %arg5[%get3A_636] {strides = array<i32>} : memref<32768xf32, #tpu.memory_space<vmem>>, vector<16xf32>,
      %get3A_638 = vector.shape_cast %get3A_637 : vector<16xf32> to vector<16xf32>
      %add3A_639 = arith.constant 10 : i32
      %add3A_640 = arith.addi %mul3A_64, %add3A_639 : i32
      %swap3A_641 = arith.index_cast %add3A_640 : i32 to index
      %swap3A_642 = arith.constant 32 : index
      %swap3A_643 = tpu.vector_load %arg7[%swap3A_641, %swap3A_642] {strides = array<i32>} : memref<512x64xf32, #tpu.memory_space<vmem>>, vector<1x16xf32>,
      %swap3A_644 = vector.shape_cast %swap3A_643 : vector<1x16xf32> to vector<16xf32>
      %swap3A_645 = vector.shape_cast %get3A_638 : vector<16xf32> to vector<1x16xf32>
      tpu.vector_store %arg7[%swap3A_641, %swap3A_642], %swap3A_645 {strides = array<i32>} : memref<512x64xf32, #tpu.memory_space<vmem>>, vector<1x16xf32>,
      %add3A_646 = arith.constant 48 : i32
      %add3A_647 = arith.addi %mul3A_609, %add3A_646 : i32
      %get3A_648 = arith.index_cast %add3A_647 : i32 to index
      %get3A_649 = tpu.vector_load %arg5[%get3A_648] {strides = array<i32>} : memref<32768xf32, #tpu.memory_space<vmem>>, vector<16xf32>,
      %get3A_650 = vector.shape_cast %get3A_649 : vector<16xf32> to vector<16xf32>
      %add3A_651 = arith.constant 10 : i32
      %add3A_652 = arith.addi %mul3A_64, %add3A_651 : i32
      %swap3A_653 = arith.index_cast %add3A_652 : i32 to index
      %swap3A_654 = arith.constant 48 : index
      %swap3A_655 = tpu.vector_load %arg7[%swap3A_653, %swap3A_654] {strides = array<i32>} : memref<512x64xf32, #tpu.memory_space<vmem>>, vector<1x16xf32>,
      %swap3A_656 = vector.shape_cast %swap3A_655 : vector<1x16xf32> to vector<16xf32>
      %swap3A_657 = vector.shape_cast %get3A_650 : vector<16xf32> to vector<1x16xf32>
      tpu.vector_store %arg7[%swap3A_653, %swap3A_654], %swap3A_657 {strides = array<i32>} : memref<512x64xf32, #tpu.memory_space<vmem>>, vector<1x16xf32>,
      %slice3A_658 = vector.extract_strided_slice %get3A_66 {offsets = [11], sizes = [1], strides = [1]} : vector<16xi32> to vector<1xi32>
      %squeeze3A_659 = vector.extract %slice3A_658[0] : i32 from vector<1xi32>
      %add3A_660 = arith.constant 4 : i32
      %add3A_661 = arith.addi %squeeze3A_659, %add3A_660 : i32
      %mul3A_662 = arith.constant 64 : i32
      %mul3A_663 = arith.muli %add3A_661, %mul3A_662 : i32
      %add3A_664 = arith.constant 0 : i32
      %add3A_665 = arith.addi %mul3A_663, %add3A_664 : i32
      %get3A_666 = arith.index_cast %add3A_665 : i32 to index
      %get3A_667 = tpu.vector_load %arg5[%get3A_666] {strides = array<i32>} : memref<32768xf32, #tpu.memory_space<vmem>>, vector<16xf32>,
      %get3A_668 = vector.shape_cast %get3A_667 : vector<16xf32> to vector<16xf32>
      %add3A_669 = arith.constant 11 : i32
      %add3A_670 = arith.addi %mul3A_64, %add3A_669 : i32
      %swap3A_671 = arith.index_cast %add3A_670 : i32 to index
      %swap3A_672 = arith.constant 0 : index
      %swap3A_673 = tpu.vector_load %arg7[%swap3A_671, %swap3A_672] {strides = array<i32>} : memref<512x64xf32, #tpu.memory_space<vmem>>, vector<1x16xf32>,
      %swap3A_674 = vector.shape_cast %swap3A_673 : vector<1x16xf32> to vector<16xf32>
      %swap3A_675 = vector.shape_cast %get3A_668 : vector<16xf32> to vector<1x16xf32>
      tpu.vector_store %arg7[%swap3A_671, %swap3A_672], %swap3A_675 {strides = array<i32>} : memref<512x64xf32, #tpu.memory_space<vmem>>, vector<1x16xf32>,
      %add3A_676 = arith.constant 16 : i32
      %add3A_677 = arith.addi %mul3A_663, %add3A_676 : i32
      %get3A_678 = arith.index_cast %add3A_677 : i32 to index
      %get3A_679 = tpu.vector_load %arg5[%get3A_678] {strides = array<i32>} : memref<32768xf32, #tpu.memory_space<vmem>>, vector<16xf32>,
      %get3A_680 = vector.shape_cast %get3A_679 : vector<16xf32> to vector<16xf32>
      %add3A_681 = arith.constant 11 : i32
      %add3A_682 = arith.addi %mul3A_64, %add3A_681 : i32
      %swap3A_683 = arith.index_cast %add3A_682 : i32 to index
      %swap3A_684 = arith.constant 16 : index
      %swap3A_685 = tpu.vector_load %arg7[%swap3A_683, %swap3A_684] {strides = array<i32>} : memref<512x64xf32, #tpu.memory_space<vmem>>, vector<1x16xf32>,
      %swap3A_686 = vector.shape_cast %swap3A_685 : vector<1x16xf32> to vector<16xf32>
      %swap3A_687 = vector.shape_cast %get3A_680 : vector<16xf32> to vector<1x16xf32>
      tpu.vector_store %arg7[%swap3A_683, %swap3A_684], %swap3A_687 {strides = array<i32>} : memref<512x64xf32, #tpu.memory_space<vmem>>, vector<1x16xf32>,
      %add3A_688 = arith.constant 32 : i32
      %add3A_689 = arith.addi %mul3A_663, %add3A_688 : i32
      %get3A_690 = arith.index_cast %add3A_689 : i32 to index
      %get3A_691 = tpu.vector_load %arg5[%get3A_690] {strides = array<i32>} : memref<32768xf32, #tpu.memory_space<vmem>>, vector<16xf32>,
      %get3A_692 = vector.shape_cast %get3A_691 : vector<16xf32> to vector<16xf32>
      %add3A_693 = arith.constant 11 : i32
      %add3A_694 = arith.addi %mul3A_64, %add3A_693 : i32
      %swap3A_695 = arith.index_cast %add3A_694 : i32 to index
      %swap3A_696 = arith.constant 32 : index
      %swap3A_697 = tpu.vector_load %arg7[%swap3A_695, %swap3A_696] {strides = array<i32>} : memref<512x64xf32, #tpu.memory_space<vmem>>, vector<1x16xf32>,
      %swap3A_698 = vector.shape_cast %swap3A_697 : vector<1x16xf32> to vector<16xf32>
      %swap3A_699 = vector.shape_cast %get3A_692 : vector<16xf32> to vector<1x16xf32>
      tpu.vector_store %arg7[%swap3A_695, %swap3A_696], %swap3A_699 {strides = array<i32>} : memref<512x64xf32, #tpu.memory_space<vmem>>, vector<1x16xf32>,
      %add3A_700 = arith.constant 48 : i32
      %add3A_701 = arith.addi %mul3A_663, %add3A_700 : i32
      %get3A_702 = arith.index_cast %add3A_701 : i32 to index
      %get3A_703 = tpu.vector_load %arg5[%get3A_702] {strides = array<i32>} : memref<32768xf32, #tpu.memory_space<vmem>>, vector<16xf32>,
      %get3A_704 = vector.shape_cast %get3A_703 : vector<16xf32> to vector<16xf32>
      %add3A_705 = arith.constant 11 : i32
      %add3A_706 = arith.addi %mul3A_64, %add3A_705 : i32
      %swap3A_707 = arith.index_cast %add3A_706 : i32 to index
      %swap3A_708 = arith.constant 48 : index
      %swap3A_709 = tpu.vector_load %arg7[%swap3A_707, %swap3A_708] {strides = array<i32>} : memref<512x64xf32, #tpu.memory_space<vmem>>, vector<1x16xf32>,
      %swap3A_710 = vector.shape_cast %swap3A_709 : vector<1x16xf32> to vector<16xf32>
      %swap3A_711 = vector.shape_cast %get3A_704 : vector<16xf32> to vector<1x16xf32>
      tpu.vector_store %arg7[%swap3A_707, %swap3A_708], %swap3A_711 {strides = array<i32>} : memref<512x64xf32, #tpu.memory_space<vmem>>, vector<1x16xf32>,
      %slice3A_712 = vector.extract_strided_slice %get3A_66 {offsets = [12], sizes = [1], strides = [1]} : vector<16xi32> to vector<1xi32>
      %squeeze3A_713 = vector.extract %slice3A_712[0] : i32 from vector<1xi32>
      %add3A_714 = arith.constant 4 : i32
      %add3A_715 = arith.addi %squeeze3A_713, %add3A_714 : i32
      %mul3A_716 = arith.constant 64 : i32
      %mul3A_717 = arith.muli %add3A_715, %mul3A_716 : i32
      %add3A_718 = arith.constant 0 : i32
      %add3A_719 = arith.addi %mul3A_717, %add3A_718 : i32
      %get3A_720 = arith.index_cast %add3A_719 : i32 to index
      %get3A_721 = tpu.vector_load %arg5[%get3A_720] {strides = array<i32>} : memref<32768xf32, #tpu.memory_space<vmem>>, vector<16xf32>,
      %get3A_722 = vector.shape_cast %get3A_721 : vector<16xf32> to vector<16xf32>
      %add3A_723 = arith.constant 12 : i32
      %add3A_724 = arith.addi %mul3A_64, %add3A_723 : i32
      %swap3A_725 = arith.index_cast %add3A_724 : i32 to index
      %swap3A_726 = arith.constant 0 : index
      %swap3A_727 = tpu.vector_load %arg7[%swap3A_725, %swap3A_726] {strides = array<i32>} : memref<512x64xf32, #tpu.memory_space<vmem>>, vector<1x16xf32>,
      %swap3A_728 = vector.shape_cast %swap3A_727 : vector<1x16xf32> to vector<16xf32>
      %swap3A_729 = vector.shape_cast %get3A_722 : vector<16xf32> to vector<1x16xf32>
      tpu.vector_store %arg7[%swap3A_725, %swap3A_726], %swap3A_729 {strides = array<i32>} : memref<512x64xf32, #tpu.memory_space<vmem>>, vector<1x16xf32>,
      %add3A_730 = arith.constant 16 : i32
      %add3A_731 = arith.addi %mul3A_717, %add3A_730 : i32
      %get3A_732 = arith.index_cast %add3A_731 : i32 to index
      %get3A_733 = tpu.vector_load %arg5[%get3A_732] {strides = array<i32>} : memref<32768xf32, #tpu.memory_space<vmem>>, vector<16xf32>,
      %get3A_734 = vector.shape_cast %get3A_733 : vector<16xf32> to vector<16xf32>
      %add3A_735 = arith.constant 12 : i32
      %add3A_736 = arith.addi %mul3A_64, %add3A_735 : i32
      %swap3A_737 = arith.index_cast %add3A_736 : i32 to index
      %swap3A_738 = arith.constant 16 : index
      %swap3A_739 = tpu.vector_load %arg7[%swap3A_737, %swap3A_738] {strides = array<i32>} : memref<512x64xf32, #tpu.memory_space<vmem>>, vector<1x16xf32>,
      %swap3A_740 = vector.shape_cast %swap3A_739 : vector<1x16xf32> to vector<16xf32>
      %swap3A_741 = vector.shape_cast %get3A_734 : vector<16xf32> to vector<1x16xf32>
      tpu.vector_store %arg7[%swap3A_737, %swap3A_738], %swap3A_741 {strides = array<i32>} : memref<512x64xf32, #tpu.memory_space<vmem>>, vector<1x16xf32>,
      %add3A_742 = arith.constant 32 : i32
      %add3A_743 = arith.addi %mul3A_717, %add3A_742 : i32
      %get3A_744 = arith.index_cast %add3A_743 : i32 to index
      %get3A_745 = tpu.vector_load %arg5[%get3A_744] {strides = array<i32>} : memref<32768xf32, #tpu.memory_space<vmem>>, vector<16xf32>,
      %get3A_746 = vector.shape_cast %get3A_745 : vector<16xf32> to vector<16xf32>
      %add3A_747 = arith.constant 12 : i32
      %add3A_748 = arith.addi %mul3A_64, %add3A_747 : i32
      %swap3A_749 = arith.index_cast %add3A_748 : i32 to index
      %swap3A_750 = arith.constant 32 : index
      %swap3A_751 = tpu.vector_load %arg7[%swap3A_749, %swap3A_750] {strides = array<i32>} : memref<512x64xf32, #tpu.memory_space<vmem>>, vector<1x16xf32>,
      %swap3A_752 = vector.shape_cast %swap3A_751 : vector<1x16xf32> to vector<16xf32>
      %swap3A_753 = vector.shape_cast %get3A_746 : vector<16xf32> to vector<1x16xf32>
      tpu.vector_store %arg7[%swap3A_749, %swap3A_750], %swap3A_753 {strides = array<i32>} : memref<512x64xf32, #tpu.memory_space<vmem>>, vector<1x16xf32>,
      %add3A_754 = arith.constant 48 : i32
      %add3A_755 = arith.addi %mul3A_717, %add3A_754 : i32
      %get3A_756 = arith.index_cast %add3A_755 : i32 to index
      %get3A_757 = tpu.vector_load %arg5[%get3A_756] {strides = array<i32>} : memref<32768xf32, #tpu.memory_space<vmem>>, vector<16xf32>,
      %get3A_758 = vector.shape_cast %get3A_757 : vector<16xf32> to vector<16xf32>
      %add3A_759 = arith.constant 12 : i32
      %add3A_760 = arith.addi %mul3A_64, %add3A_759 : i32
      %swap3A_761 = arith.index_cast %add3A_760 : i32 to index
      %swap3A_762 = arith.constant 48 : index
      %swap3A_763 = tpu.vector_load %arg7[%swap3A_761, %swap3A_762] {strides = array<i32>} : memref<512x64xf32, #tpu.memory_space<vmem>>, vector<1x16xf32>,
      %swap3A_764 = vector.shape_cast %swap3A_763 : vector<1x16xf32> to vector<16xf32>
      %swap3A_765 = vector.shape_cast %get3A_758 : vector<16xf32> to vector<1x16xf32>
      tpu.vector_store %arg7[%swap3A_761, %swap3A_762], %swap3A_765 {strides = array<i32>} : memref<512x64xf32, #tpu.memory_space<vmem>>, vector<1x16xf32>,
      %slice3A_766 = vector.extract_strided_slice %get3A_66 {offsets = [13], sizes = [1], strides = [1]} : vector<16xi32> to vector<1xi32>
      %squeeze3A_767 = vector.extract %slice3A_766[0] : i32 from vector<1xi32>
      %add3A_768 = arith.constant 4 : i32
      %add3A_769 = arith.addi %squeeze3A_767, %add3A_768 : i32
      %mul3A_770 = arith.constant 64 : i32
      %mul3A_771 = arith.muli %add3A_769, %mul3A_770 : i32
      %add3A_772 = arith.constant 0 : i32
      %add3A_773 = arith.addi %mul3A_771, %add3A_772 : i32
      %get3A_774 = arith.index_cast %add3A_773 : i32 to index
      %get3A_775 = tpu.vector_load %arg5[%get3A_774] {strides = array<i32>} : memref<32768xf32, #tpu.memory_space<vmem>>, vector<16xf32>,
      %get3A_776 = vector.shape_cast %get3A_775 : vector<16xf32> to vector<16xf32>
      %add3A_777 = arith.constant 13 : i32
      %add3A_778 = arith.addi %mul3A_64, %add3A_777 : i32
      %swap3A_779 = arith.index_cast %add3A_778 : i32 to index
      %swap3A_780 = arith.constant 0 : index
      %swap3A_781 = tpu.vector_load %arg7[%swap3A_779, %swap3A_780] {strides = array<i32>} : memref<512x64xf32, #tpu.memory_space<vmem>>, vector<1x16xf32>,
      %swap3A_782 = vector.shape_cast %swap3A_781 : vector<1x16xf32> to vector<16xf32>
      %swap3A_783 = vector.shape_cast %get3A_776 : vector<16xf32> to vector<1x16xf32>
      tpu.vector_store %arg7[%swap3A_779, %swap3A_780], %swap3A_783 {strides = array<i32>} : memref<512x64xf32, #tpu.memory_space<vmem>>, vector<1x16xf32>,
      %add3A_784 = arith.constant 16 : i32
      %add3A_785 = arith.addi %mul3A_771, %add3A_784 : i32
      %get3A_786 = arith.index_cast %add3A_785 : i32 to index
      %get3A_787 = tpu.vector_load %arg5[%get3A_786] {strides = array<i32>} : memref<32768xf32, #tpu.memory_space<vmem>>, vector<16xf32>,
      %get3A_788 = vector.shape_cast %get3A_787 : vector<16xf32> to vector<16xf32>
      %add3A_789 = arith.constant 13 : i32
      %add3A_790 = arith.addi %mul3A_64, %add3A_789 : i32
      %swap3A_791 = arith.index_cast %add3A_790 : i32 to index
      %swap3A_792 = arith.constant 16 : index
      %swap3A_793 = tpu.vector_load %arg7[%swap3A_791, %swap3A_792] {strides = array<i32>} : memref<512x64xf32, #tpu.memory_space<vmem>>, vector<1x16xf32>,
      %swap3A_794 = vector.shape_cast %swap3A_793 : vector<1x16xf32> to vector<16xf32>
      %swap3A_795 = vector.shape_cast %get3A_788 : vector<16xf32> to vector<1x16xf32>
      tpu.vector_store %arg7[%swap3A_791, %swap3A_792], %swap3A_795 {strides = array<i32>} : memref<512x64xf32, #tpu.memory_space<vmem>>, vector<1x16xf32>,
      %add3A_796 = arith.constant 32 : i32
      %add3A_797 = arith.addi %mul3A_771, %add3A_796 : i32
      %get3A_798 = arith.index_cast %add3A_797 : i32 to index
      %get3A_799 = tpu.vector_load %arg5[%get3A_798] {strides = array<i32>} : memref<32768xf32, #tpu.memory_space<vmem>>, vector<16xf32>,
      %get3A_800 = vector.shape_cast %get3A_799 : vector<16xf32> to vector<16xf32>
      %add3A_801 = arith.constant 13 : i32
      %add3A_802 = arith.addi %mul3A_64, %add3A_801 : i32
      %swap3A_803 = arith.index_cast %add3A_802 : i32 to index
      %swap3A_804 = arith.constant 32 : index
      %swap3A_805 = tpu.vector_load %arg7[%swap3A_803, %swap3A_804] {strides = array<i32>} : memref<512x64xf32, #tpu.memory_space<vmem>>, vector<1x16xf32>,
      %swap3A_806 = vector.shape_cast %swap3A_805 : vector<1x16xf32> to vector<16xf32>
      %swap3A_807 = vector.shape_cast %get3A_800 : vector<16xf32> to vector<1x16xf32>
      tpu.vector_store %arg7[%swap3A_803, %swap3A_804], %swap3A_807 {strides = array<i32>} : memref<512x64xf32, #tpu.memory_space<vmem>>, vector<1x16xf32>,
      %add3A_808 = arith.constant 48 : i32
      %add3A_809 = arith.addi %mul3A_771, %add3A_808 : i32
      %get3A_810 = arith.index_cast %add3A_809 : i32 to index
      %get3A_811 = tpu.vector_load %arg5[%get3A_810] {strides = array<i32>} : memref<32768xf32, #tpu.memory_space<vmem>>, vector<16xf32>,
      %get3A_812 = vector.shape_cast %get3A_811 : vector<16xf32> to vector<16xf32>
      %add3A_813 = arith.constant 13 : i32
      %add3A_814 = arith.addi %mul3A_64, %add3A_813 : i32
      %swap3A_815 = arith.index_cast %add3A_814 : i32 to index
      %swap3A_816 = arith.constant 48 : index
      %swap3A_817 = tpu.vector_load %arg7[%swap3A_815, %swap3A_816] {strides = array<i32>} : memref<512x64xf32, #tpu.memory_space<vmem>>, vector<1x16xf32>,
      %swap3A_818 = vector.shape_cast %swap3A_817 : vector<1x16xf32> to vector<16xf32>
      %swap3A_819 = vector.shape_cast %get3A_812 : vector<16xf32> to vector<1x16xf32>
      tpu.vector_store %arg7[%swap3A_815, %swap3A_816], %swap3A_819 {strides = array<i32>} : memref<512x64xf32, #tpu.memory_space<vmem>>, vector<1x16xf32>,
      %slice3A_820 = vector.extract_strided_slice %get3A_66 {offsets = [14], sizes = [1], strides = [1]} : vector<16xi32> to vector<1xi32>
      %squeeze3A_821 = vector.extract %slice3A_820[0] : i32 from vector<1xi32>
      %add3A_822 = arith.constant 4 : i32
      %add3A_823 = arith.addi %squeeze3A_821, %add3A_822 : i32
      %mul3A_824 = arith.constant 64 : i32
      %mul3A_825 = arith.muli %add3A_823, %mul3A_824 : i32
      %add3A_826 = arith.constant 0 : i32
      %add3A_827 = arith.addi %mul3A_825, %add3A_826 : i32
      %get3A_828 = arith.index_cast %add3A_827 : i32 to index
      %get3A_829 = tpu.vector_load %arg5[%get3A_828] {strides = array<i32>} : memref<32768xf32, #tpu.memory_space<vmem>>, vector<16xf32>,
      %get3A_830 = vector.shape_cast %get3A_829 : vector<16xf32> to vector<16xf32>
      %add3A_831 = arith.constant 14 : i32
      %add3A_832 = arith.addi %mul3A_64, %add3A_831 : i32
      %swap3A_833 = arith.index_cast %add3A_832 : i32 to index
      %swap3A_834 = arith.constant 0 : index
      %swap3A_835 = tpu.vector_load %arg7[%swap3A_833, %swap3A_834] {strides = array<i32>} : memref<512x64xf32, #tpu.memory_space<vmem>>, vector<1x16xf32>,
      %swap3A_836 = vector.shape_cast %swap3A_835 : vector<1x16xf32> to vector<16xf32>
      %swap3A_837 = vector.shape_cast %get3A_830 : vector<16xf32> to vector<1x16xf32>
      tpu.vector_store %arg7[%swap3A_833, %swap3A_834], %swap3A_837 {strides = array<i32>} : memref<512x64xf32, #tpu.memory_space<vmem>>, vector<1x16xf32>,
      %add3A_838 = arith.constant 16 : i32
      %add3A_839 = arith.addi %mul3A_825, %add3A_838 : i32
      %get3A_840 = arith.index_cast %add3A_839 : i32 to index
      %get3A_841 = tpu.vector_load %arg5[%get3A_840] {strides = array<i32>} : memref<32768xf32, #tpu.memory_space<vmem>>, vector<16xf32>,
      %get3A_842 = vector.shape_cast %get3A_841 : vector<16xf32> to vector<16xf32>
      %add3A_843 = arith.constant 14 : i32
      %add3A_844 = arith.addi %mul3A_64, %add3A_843 : i32
      %swap3A_845 = arith.index_cast %add3A_844 : i32 to index
      %swap3A_846 = arith.constant 16 : index
      %swap3A_847 = tpu.vector_load %arg7[%swap3A_845, %swap3A_846] {strides = array<i32>} : memref<512x64xf32, #tpu.memory_space<vmem>>, vector<1x16xf32>,
      %swap3A_848 = vector.shape_cast %swap3A_847 : vector<1x16xf32> to vector<16xf32>
      %swap3A_849 = vector.shape_cast %get3A_842 : vector<16xf32> to vector<1x16xf32>
      tpu.vector_store %arg7[%swap3A_845, %swap3A_846], %swap3A_849 {strides = array<i32>} : memref<512x64xf32, #tpu.memory_space<vmem>>, vector<1x16xf32>,
      %add3A_850 = arith.constant 32 : i32
      %add3A_851 = arith.addi %mul3A_825, %add3A_850 : i32
      %get3A_852 = arith.index_cast %add3A_851 : i32 to index
      %get3A_853 = tpu.vector_load %arg5[%get3A_852] {strides = array<i32>} : memref<32768xf32, #tpu.memory_space<vmem>>, vector<16xf32>,
      %get3A_854 = vector.shape_cast %get3A_853 : vector<16xf32> to vector<16xf32>
      %add3A_855 = arith.constant 14 : i32
      %add3A_856 = arith.addi %mul3A_64, %add3A_855 : i32
      %swap3A_857 = arith.index_cast %add3A_856 : i32 to index
      %swap3A_858 = arith.constant 32 : index
      %swap3A_859 = tpu.vector_load %arg7[%swap3A_857, %swap3A_858] {strides = array<i32>} : memref<512x64xf32, #tpu.memory_space<vmem>>, vector<1x16xf32>,
      %swap3A_860 = vector.shape_cast %swap3A_859 : vector<1x16xf32> to vector<16xf32>
      %swap3A_861 = vector.shape_cast %get3A_854 : vector<16xf32> to vector<1x16xf32>
      tpu.vector_store %arg7[%swap3A_857, %swap3A_858], %swap3A_861 {strides = array<i32>} : memref<512x64xf32, #tpu.memory_space<vmem>>, vector<1x16xf32>,
      %add3A_862 = arith.constant 48 : i32
      %add3A_863 = arith.addi %mul3A_825, %add3A_862 : i32
      %get3A_864 = arith.index_cast %add3A_863 : i32 to index
      %get3A_865 = tpu.vector_load %arg5[%get3A_864] {strides = array<i32>} : memref<32768xf32, #tpu.memory_space<vmem>>, vector<16xf32>,
      %get3A_866 = vector.shape_cast %get3A_865 : vector<16xf32> to vector<16xf32>
      %add3A_867 = arith.constant 14 : i32
      %add3A_868 = arith.addi %mul3A_64, %add3A_867 : i32
      %swap3A_869 = arith.index_cast %add3A_868 : i32 to index
      %swap3A_870 = arith.constant 48 : index
      %swap3A_871 = tpu.vector_load %arg7[%swap3A_869, %swap3A_870] {strides = array<i32>} : memref<512x64xf32, #tpu.memory_space<vmem>>, vector<1x16xf32>,
      %swap3A_872 = vector.shape_cast %swap3A_871 : vector<1x16xf32> to vector<16xf32>
      %swap3A_873 = vector.shape_cast %get3A_866 : vector<16xf32> to vector<1x16xf32>
      tpu.vector_store %arg7[%swap3A_869, %swap3A_870], %swap3A_873 {strides = array<i32>} : memref<512x64xf32, #tpu.memory_space<vmem>>, vector<1x16xf32>,
      %slice3A_874 = vector.extract_strided_slice %get3A_66 {offsets = [15], sizes = [1], strides = [1]} : vector<16xi32> to vector<1xi32>
      %squeeze3A_875 = vector.extract %slice3A_874[0] : i32 from vector<1xi32>
      %add3A_876 = arith.constant 4 : i32
      %add3A_877 = arith.addi %squeeze3A_875, %add3A_876 : i32
      %mul3A_878 = arith.constant 64 : i32
      %mul3A_879 = arith.muli %add3A_877, %mul3A_878 : i32
      %add3A_880 = arith.constant 0 : i32
      %add3A_881 = arith.addi %mul3A_879, %add3A_880 : i32
      %get3A_882 = arith.index_cast %add3A_881 : i32 to index
      %get3A_883 = tpu.vector_load %arg5[%get3A_882] {strides = array<i32>} : memref<32768xf32, #tpu.memory_space<vmem>>, vector<16xf32>,
      %get3A_884 = vector.shape_cast %get3A_883 : vector<16xf32> to vector<16xf32>
      %add3A_885 = arith.constant 15 : i32
      %add3A_886 = arith.addi %mul3A_64, %add3A_885 : i32
      %swap3A_887 = arith.index_cast %add3A_886 : i32 to index
      %swap3A_888 = arith.constant 0 : index
      %swap3A_889 = tpu.vector_load %arg7[%swap3A_887, %swap3A_888] {strides = array<i32>} : memref<512x64xf32, #tpu.memory_space<vmem>>, vector<1x16xf32>,
      %swap3A_890 = vector.shape_cast %swap3A_889 : vector<1x16xf32> to vector<16xf32>
      %swap3A_891 = vector.shape_cast %get3A_884 : vector<16xf32> to vector<1x16xf32>
      tpu.vector_store %arg7[%swap3A_887, %swap3A_888], %swap3A_891 {strides = array<i32>} : memref<512x64xf32, #tpu.memory_space<vmem>>, vector<1x16xf32>,
      %add3A_892 = arith.constant 16 : i32
      %add3A_893 = arith.addi %mul3A_879, %add3A_892 : i32
      %get3A_894 = arith.index_cast %add3A_893 : i32 to index
      %get3A_895 = tpu.vector_load %arg5[%get3A_894] {strides = array<i32>} : memref<32768xf32, #tpu.memory_space<vmem>>, vector<16xf32>,
      %get3A_896 = vector.shape_cast %get3A_895 : vector<16xf32> to vector<16xf32>
      %add3A_897 = arith.constant 15 : i32
      %add3A_898 = arith.addi %mul3A_64, %add3A_897 : i32
      %swap3A_899 = arith.index_cast %add3A_898 : i32 to index
      %swap3A_900 = arith.constant 16 : index
      %swap3A_901 = tpu.vector_load %arg7[%swap3A_899, %swap3A_900] {strides = array<i32>} : memref<512x64xf32, #tpu.memory_space<vmem>>, vector<1x16xf32>,
      %swap3A_902 = vector.shape_cast %swap3A_901 : vector<1x16xf32> to vector<16xf32>
      %swap3A_903 = vector.shape_cast %get3A_896 : vector<16xf32> to vector<1x16xf32>
      tpu.vector_store %arg7[%swap3A_899, %swap3A_900], %swap3A_903 {strides = array<i32>} : memref<512x64xf32, #tpu.memory_space<vmem>>, vector<1x16xf32>,
      %add3A_904 = arith.constant 32 : i32
      %add3A_905 = arith.addi %mul3A_879, %add3A_904 : i32
      %get3A_906 = arith.index_cast %add3A_905 : i32 to index
      %get3A_907 = tpu.vector_load %arg5[%get3A_906] {strides = array<i32>} : memref<32768xf32, #tpu.memory_space<vmem>>, vector<16xf32>,
      %get3A_908 = vector.shape_cast %get3A_907 : vector<16xf32> to vector<16xf32>
      %add3A_909 = arith.constant 15 : i32
      %add3A_910 = arith.addi %mul3A_64, %add3A_909 : i32
      %swap3A_911 = arith.index_cast %add3A_910 : i32 to index
      %swap3A_912 = arith.constant 32 : index
      %swap3A_913 = tpu.vector_load %arg7[%swap3A_911, %swap3A_912] {strides = array<i32>} : memref<512x64xf32, #tpu.memory_space<vmem>>, vector<1x16xf32>,
      %swap3A_914 = vector.shape_cast %swap3A_913 : vector<1x16xf32> to vector<16xf32>
      %swap3A_915 = vector.shape_cast %get3A_908 : vector<16xf32> to vector<1x16xf32>
      tpu.vector_store %arg7[%swap3A_911, %swap3A_912], %swap3A_915 {strides = array<i32>} : memref<512x64xf32, #tpu.memory_space<vmem>>, vector<1x16xf32>,
      %add3A_916 = arith.constant 48 : i32
      %add3A_917 = arith.addi %mul3A_879, %add3A_916 : i32
      %get3A_918 = arith.index_cast %add3A_917 : i32 to index
      %get3A_919 = tpu.vector_load %arg5[%get3A_918] {strides = array<i32>} : memref<32768xf32, #tpu.memory_space<vmem>>, vector<16xf32>,
      %get3A_920 = vector.shape_cast %get3A_919 : vector<16xf32> to vector<16xf32>
      %add3A_921 = arith.constant 15 : i32
      %add3A_922 = arith.addi %mul3A_64, %add3A_921 : i32
      %swap3A_923 = arith.index_cast %add3A_922 : i32 to index
      %swap3A_924 = arith.constant 48 : index
      %swap3A_925 = tpu.vector_load %arg7[%swap3A_923, %swap3A_924] {strides = array<i32>} : memref<512x64xf32, #tpu.memory_space<vmem>>, vector<1x16xf32>,
      %swap3A_926 = vector.shape_cast %swap3A_925 : vector<1x16xf32> to vector<16xf32>
      %swap3A_927 = vector.shape_cast %get3A_920 : vector<16xf32> to vector<1x16xf32>
      tpu.vector_store %arg7[%swap3A_923, %swap3A_924], %swap3A_927 {strides = array<i32>} : memref<512x64xf32, #tpu.memory_space<vmem>>, vector<1x16xf32>,
    }
    %scan3A_7 = arith.constant 16 : i32
    %mul3A_8 = arith.constant 512 : i32
    %mul3A_9 = arith.muli %add3A, %mul3A_8 : i32
    %add3A_10 = arith.constant 0 : i32
    %add3A_11 = arith.addi %mul3A_9, %add3A_10 : i32
    %dma_start3A = arith.constant 0 : i32
    %dma_start3A_12 = arith.constant 0 : i32
    %dma_start3A_13 = tpu.memref_slice %arg7[%dma_start3A, %dma_start3A_12] : memref<512x64xf32, #tpu.memory_space<vmem>> -> memref<256x64xf32, #tpu.memory_space<vmem>>
    %dma_start3A_14 = arith.constant 0 : i32
    %dma_start3A_15 = tpu.memref_slice %arg4[%add3A_11, %dma_start3A_14] : memref<16384x64xf32, #tpu.memory_space<hbm>> -> memref<256x64xf32, #tpu.memory_space<hbm>>
    %dma_start3A_16 = arith.constant 0 : i32
    %dma_start3A_17 = tpu.memref_slice %arg4[%add3A_11, %dma_start3A_16] : memref<16384x64xf32, #tpu.memory_space<hbm>> -> memref<256x64xf32, #tpu.memory_space<hbm>>
    %dma_start3A_18 = arith.constant 0 : i32
    %dma_start3A_19 = arith.constant 0 : i32
    %dma_start3A_20 = tpu.memref_slice %arg7[%dma_start3A_18, %dma_start3A_19] : memref<512x64xf32, #tpu.memory_space<vmem>> -> memref<256x64xf32, #tpu.memory_space<vmem>>
    tpu.enqueue_dma source(%dma_start3A_20 : memref<256x64xf32, #tpu.memory_space<vmem>>) target(%dma_start3A_17 : memref<256x64xf32, #tpu.memory_space<hbm>>) target_semaphore(%arg9 : memref<!tpu.dma_semaphore, #tpu.memory_space<semaphore_mem>>)
    %scan3A_21 = arith.constant 0 : i32
    %scan3A_22 = arith.constant 0 : i32
    %scan3A_23 = arith.constant 16 : i32
    %scan3A_24 = arith.addi %scan3A_22, %scan3A_23 : i32
    %scan3A_25 = arith.constant 1 : i32
    scf.for %scan3A_60 = %scan3A_22 to %scan3A_24 step %scan3A_25  : i32 {
      %add3A_61 = arith.constant 16 : i32
      %add3A_62 = arith.addi %add3A_61, %scan3A_60 : i32
      %mul3A_63 = arith.constant 16 : i32
      %mul3A_64 = arith.muli %add3A_62, %mul3A_63 : i32
      %get3A = arith.index_cast %mul3A_64 : i32 to index
      %get3A_65 = tpu.vector_load %arg6[%get3A] {strides = array<i32>} : memref<512xi32, #tpu.memory_space<vmem>>, vector<16xi32>,
      %get3A_66 = vector.shape_cast %get3A_65 : vector<16xi32> to vector<16xi32>
      %slice3A = vector.extract_strided_slice %get3A_66 {offsets = [0], sizes = [1], strides = [1]} : vector<16xi32> to vector<1xi32>
      %squeeze3A = vector.extract %slice3A[0] : i32 from vector<1xi32>
      %add3A_67 = arith.constant 4 : i32
      %add3A_68 = arith.addi %squeeze3A, %add3A_67 : i32
      %mul3A_69 = arith.constant 64 : i32
      %mul3A_70 = arith.muli %add3A_68, %mul3A_69 : i32
      %add3A_71 = arith.constant 0 : i32
      %add3A_72 = arith.addi %mul3A_70, %add3A_71 : i32
      %get3A_73 = arith.index_cast %add3A_72 : i32 to index
      %get3A_74 = tpu.vector_load %arg5[%get3A_73] {strides = array<i32>} : memref<32768xf32, #tpu.memory_space<vmem>>, vector<16xf32>,
      %get3A_75 = vector.shape_cast %get3A_74 : vector<16xf32> to vector<16xf32>
      %add3A_76 = arith.constant 0 : i32
      %add3A_77 = arith.addi %mul3A_64, %add3A_76 : i32
      %swap3A = arith.index_cast %add3A_77 : i32 to index
      %swap3A_78 = arith.constant 0 : index
      %swap3A_79 = tpu.vector_load %arg7[%swap3A, %swap3A_78] {strides = array<i32>} : memref<512x64xf32, #tpu.memory_space<vmem>>, vector<1x16xf32>,
      %swap3A_80 = vector.shape_cast %swap3A_79 : vector<1x16xf32> to vector<16xf32>
      %swap3A_81 = vector.shape_cast %get3A_75 : vector<16xf32> to vector<1x16xf32>
      tpu.vector_store %arg7[%swap3A, %swap3A_78], %swap3A_81 {strides = array<i32>} : memref<512x64xf32, #tpu.memory_space<vmem>>, vector<1x16xf32>,
      %add3A_82 = arith.constant 16 : i32
      %add3A_83 = arith.addi %mul3A_70, %add3A_82 : i32
      %get3A_84 = arith.index_cast %add3A_83 : i32 to index
      %get3A_85 = tpu.vector_load %arg5[%get3A_84] {strides = array<i32>} : memref<32768xf32, #tpu.memory_space<vmem>>, vector<16xf32>,
      %get3A_86 = vector.shape_cast %get3A_85 : vector<16xf32> to vector<16xf32>
      %add3A_87 = arith.constant 0 : i32
      %add3A_88 = arith.addi %mul3A_64, %add3A_87 : i32
      %swap3A_89 = arith.index_cast %add3A_88 : i32 to index
      %swap3A_90 = arith.constant 16 : index
      %swap3A_91 = tpu.vector_load %arg7[%swap3A_89, %swap3A_90] {strides = array<i32>} : memref<512x64xf32, #tpu.memory_space<vmem>>, vector<1x16xf32>,
      %swap3A_92 = vector.shape_cast %swap3A_91 : vector<1x16xf32> to vector<16xf32>
      %swap3A_93 = vector.shape_cast %get3A_86 : vector<16xf32> to vector<1x16xf32>
      tpu.vector_store %arg7[%swap3A_89, %swap3A_90], %swap3A_93 {strides = array<i32>} : memref<512x64xf32, #tpu.memory_space<vmem>>, vector<1x16xf32>,
      %add3A_94 = arith.constant 32 : i32
      %add3A_95 = arith.addi %mul3A_70, %add3A_94 : i32
      %get3A_96 = arith.index_cast %add3A_95 : i32 to index
      %get3A_97 = tpu.vector_load %arg5[%get3A_96] {strides = array<i32>} : memref<32768xf32, #tpu.memory_space<vmem>>, vector<16xf32>,
      %get3A_98 = vector.shape_cast %get3A_97 : vector<16xf32> to vector<16xf32>
      %add3A_99 = arith.constant 0 : i32
      %add3A_100 = arith.addi %mul3A_64, %add3A_99 : i32
      %swap3A_101 = arith.index_cast %add3A_100 : i32 to index
      %swap3A_102 = arith.constant 32 : index
      %swap3A_103 = tpu.vector_load %arg7[%swap3A_101, %swap3A_102] {strides = array<i32>} : memref<512x64xf32, #tpu.memory_space<vmem>>, vector<1x16xf32>,
      %swap3A_104 = vector.shape_cast %swap3A_103 : vector<1x16xf32> to vector<16xf32>
      %swap3A_105 = vector.shape_cast %get3A_98 : vector<16xf32> to vector<1x16xf32>
      tpu.vector_store %arg7[%swap3A_101, %swap3A_102], %swap3A_105 {strides = array<i32>} : memref<512x64xf32, #tpu.memory_space<vmem>>, vector<1x16xf32>,
      %add3A_106 = arith.constant 48 : i32
      %add3A_107 = arith.addi %mul3A_70, %add3A_106 : i32
      %get3A_108 = arith.index_cast %add3A_107 : i32 to index
      %get3A_109 = tpu.vector_load %arg5[%get3A_108] {strides = array<i32>} : memref<32768xf32, #tpu.memory_space<vmem>>, vector<16xf32>,
      %get3A_110 = vector.shape_cast %get3A_109 : vector<16xf32> to vector<16xf32>
      %add3A_111 = arith.constant 0 : i32
      %add3A_112 = arith.addi %mul3A_64, %add3A_111 : i32
      %swap3A_113 = arith.index_cast %add3A_112 : i32 to index
      %swap3A_114 = arith.constant 48 : index
      %swap3A_115 = tpu.vector_load %arg7[%swap3A_113, %swap3A_114] {strides = array<i32>} : memref<512x64xf32, #tpu.memory_space<vmem>>, vector<1x16xf32>,
      %swap3A_116 = vector.shape_cast %swap3A_115 : vector<1x16xf32> to vector<16xf32>
      %swap3A_117 = vector.shape_cast %get3A_110 : vector<16xf32> to vector<1x16xf32>
      tpu.vector_store %arg7[%swap3A_113, %swap3A_114], %swap3A_117 {strides = array<i32>} : memref<512x64xf32, #tpu.memory_space<vmem>>, vector<1x16xf32>,
      %slice3A_118 = vector.extract_strided_slice %get3A_66 {offsets = [1], sizes = [1], strides = [1]} : vector<16xi32> to vector<1xi32>
      %squeeze3A_119 = vector.extract %slice3A_118[0] : i32 from vector<1xi32>
      %add3A_120 = arith.constant 4 : i32
      %add3A_121 = arith.addi %squeeze3A_119, %add3A_120 : i32
      %mul3A_122 = arith.constant 64 : i32
      %mul3A_123 = arith.muli %add3A_121, %mul3A_122 : i32
      %add3A_124 = arith.constant 0 : i32
      %add3A_125 = arith.addi %mul3A_123, %add3A_124 : i32
      %get3A_126 = arith.index_cast %add3A_125 : i32 to index
      %get3A_127 = tpu.vector_load %arg5[%get3A_126] {strides = array<i32>} : memref<32768xf32, #tpu.memory_space<vmem>>, vector<16xf32>,
      %get3A_128 = vector.shape_cast %get3A_127 : vector<16xf32> to vector<16xf32>
      %add3A_129 = arith.constant 1 : i32
      %add3A_130 = arith.addi %mul3A_64, %add3A_129 : i32
      %swap3A_131 = arith.index_cast %add3A_130 : i32 to index
      %swap3A_132 = arith.constant 0 : index
      %swap3A_133 = tpu.vector_load %arg7[%swap3A_131, %swap3A_132] {strides = array<i32>} : memref<512x64xf32, #tpu.memory_space<vmem>>, vector<1x16xf32>,
      %swap3A_134 = vector.shape_cast %swap3A_133 : vector<1x16xf32> to vector<16xf32>
      %swap3A_135 = vector.shape_cast %get3A_128 : vector<16xf32> to vector<1x16xf32>
      tpu.vector_store %arg7[%swap3A_131, %swap3A_132], %swap3A_135 {strides = array<i32>} : memref<512x64xf32, #tpu.memory_space<vmem>>, vector<1x16xf32>,
      %add3A_136 = arith.constant 16 : i32
      %add3A_137 = arith.addi %mul3A_123, %add3A_136 : i32
      %get3A_138 = arith.index_cast %add3A_137 : i32 to index
      %get3A_139 = tpu.vector_load %arg5[%get3A_138] {strides = array<i32>} : memref<32768xf32, #tpu.memory_space<vmem>>, vector<16xf32>,
      %get3A_140 = vector.shape_cast %get3A_139 : vector<16xf32> to vector<16xf32>
      %add3A_141 = arith.constant 1 : i32
      %add3A_142 = arith.addi %mul3A_64, %add3A_141 : i32
      %swap3A_143 = arith.index_cast %add3A_142 : i32 to index
      %swap3A_144 = arith.constant 16 : index
      %swap3A_145 = tpu.vector_load %arg7[%swap3A_143, %swap3A_144] {strides = array<i32>} : memref<512x64xf32, #tpu.memory_space<vmem>>, vector<1x16xf32>,
      %swap3A_146 = vector.shape_cast %swap3A_145 : vector<1x16xf32> to vector<16xf32>
      %swap3A_147 = vector.shape_cast %get3A_140 : vector<16xf32> to vector<1x16xf32>
      tpu.vector_store %arg7[%swap3A_143, %swap3A_144], %swap3A_147 {strides = array<i32>} : memref<512x64xf32, #tpu.memory_space<vmem>>, vector<1x16xf32>,
      %add3A_148 = arith.constant 32 : i32
      %add3A_149 = arith.addi %mul3A_123, %add3A_148 : i32
      %get3A_150 = arith.index_cast %add3A_149 : i32 to index
      %get3A_151 = tpu.vector_load %arg5[%get3A_150] {strides = array<i32>} : memref<32768xf32, #tpu.memory_space<vmem>>, vector<16xf32>,
      %get3A_152 = vector.shape_cast %get3A_151 : vector<16xf32> to vector<16xf32>
      %add3A_153 = arith.constant 1 : i32
      %add3A_154 = arith.addi %mul3A_64, %add3A_153 : i32
      %swap3A_155 = arith.index_cast %add3A_154 : i32 to index
      %swap3A_156 = arith.constant 32 : index
      %swap3A_157 = tpu.vector_load %arg7[%swap3A_155, %swap3A_156] {strides = array<i32>} : memref<512x64xf32, #tpu.memory_space<vmem>>, vector<1x16xf32>,
      %swap3A_158 = vector.shape_cast %swap3A_157 : vector<1x16xf32> to vector<16xf32>
      %swap3A_159 = vector.shape_cast %get3A_152 : vector<16xf32> to vector<1x16xf32>
      tpu.vector_store %arg7[%swap3A_155, %swap3A_156], %swap3A_159 {strides = array<i32>} : memref<512x64xf32, #tpu.memory_space<vmem>>, vector<1x16xf32>,
      %add3A_160 = arith.constant 48 : i32
      %add3A_161 = arith.addi %mul3A_123, %add3A_160 : i32
      %get3A_162 = arith.index_cast %add3A_161 : i32 to index
      %get3A_163 = tpu.vector_load %arg5[%get3A_162] {strides = array<i32>} : memref<32768xf32, #tpu.memory_space<vmem>>, vector<16xf32>,
      %get3A_164 = vector.shape_cast %get3A_163 : vector<16xf32> to vector<16xf32>
      %add3A_165 = arith.constant 1 : i32
      %add3A_166 = arith.addi %mul3A_64, %add3A_165 : i32
      %swap3A_167 = arith.index_cast %add3A_166 : i32 to index
      %swap3A_168 = arith.constant 48 : index
      %swap3A_169 = tpu.vector_load %arg7[%swap3A_167, %swap3A_168] {strides = array<i32>} : memref<512x64xf32, #tpu.memory_space<vmem>>, vector<1x16xf32>,
      %swap3A_170 = vector.shape_cast %swap3A_169 : vector<1x16xf32> to vector<16xf32>
      %swap3A_171 = vector.shape_cast %get3A_164 : vector<16xf32> to vector<1x16xf32>
      tpu.vector_store %arg7[%swap3A_167, %swap3A_168], %swap3A_171 {strides = array<i32>} : memref<512x64xf32, #tpu.memory_space<vmem>>, vector<1x16xf32>,
      %slice3A_172 = vector.extract_strided_slice %get3A_66 {offsets = [2], sizes = [1], strides = [1]} : vector<16xi32> to vector<1xi32>
      %squeeze3A_173 = vector.extract %slice3A_172[0] : i32 from vector<1xi32>
      %add3A_174 = arith.constant 4 : i32
      %add3A_175 = arith.addi %squeeze3A_173, %add3A_174 : i32
      %mul3A_176 = arith.constant 64 : i32
      %mul3A_177 = arith.muli %add3A_175, %mul3A_176 : i32
      %add3A_178 = arith.constant 0 : i32
      %add3A_179 = arith.addi %mul3A_177, %add3A_178 : i32
      %get3A_180 = arith.index_cast %add3A_179 : i32 to index
      %get3A_181 = tpu.vector_load %arg5[%get3A_180] {strides = array<i32>} : memref<32768xf32, #tpu.memory_space<vmem>>, vector<16xf32>,
      %get3A_182 = vector.shape_cast %get3A_181 : vector<16xf32> to vector<16xf32>
      %add3A_183 = arith.constant 2 : i32
      %add3A_184 = arith.addi %mul3A_64, %add3A_183 : i32
      %swap3A_185 = arith.index_cast %add3A_184 : i32 to index
      %swap3A_186 = arith.constant 0 : index
      %swap3A_187 = tpu.vector_load %arg7[%swap3A_185, %swap3A_186] {strides = array<i32>} : memref<512x64xf32, #tpu.memory_space<vmem>>, vector<1x16xf32>,
      %swap3A_188 = vector.shape_cast %swap3A_187 : vector<1x16xf32> to vector<16xf32>
      %swap3A_189 = vector.shape_cast %get3A_182 : vector<16xf32> to vector<1x16xf32>
      tpu.vector_store %arg7[%swap3A_185, %swap3A_186], %swap3A_189 {strides = array<i32>} : memref<512x64xf32, #tpu.memory_space<vmem>>, vector<1x16xf32>,
      %add3A_190 = arith.constant 16 : i32
      %add3A_191 = arith.addi %mul3A_177, %add3A_190 : i32
      %get3A_192 = arith.index_cast %add3A_191 : i32 to index
      %get3A_193 = tpu.vector_load %arg5[%get3A_192] {strides = array<i32>} : memref<32768xf32, #tpu.memory_space<vmem>>, vector<16xf32>,
      %get3A_194 = vector.shape_cast %get3A_193 : vector<16xf32> to vector<16xf32>
      %add3A_195 = arith.constant 2 : i32
      %add3A_196 = arith.addi %mul3A_64, %add3A_195 : i32
      %swap3A_197 = arith.index_cast %add3A_196 : i32 to index
      %swap3A_198 = arith.constant 16 : index
      %swap3A_199 = tpu.vector_load %arg7[%swap3A_197, %swap3A_198] {strides = array<i32>} : memref<512x64xf32, #tpu.memory_space<vmem>>, vector<1x16xf32>,
      %swap3A_200 = vector.shape_cast %swap3A_199 : vector<1x16xf32> to vector<16xf32>
      %swap3A_201 = vector.shape_cast %get3A_194 : vector<16xf32> to vector<1x16xf32>
      tpu.vector_store %arg7[%swap3A_197, %swap3A_198], %swap3A_201 {strides = array<i32>} : memref<512x64xf32, #tpu.memory_space<vmem>>, vector<1x16xf32>,
      %add3A_202 = arith.constant 32 : i32
      %add3A_203 = arith.addi %mul3A_177, %add3A_202 : i32
      %get3A_204 = arith.index_cast %add3A_203 : i32 to index
      %get3A_205 = tpu.vector_load %arg5[%get3A_204] {strides = array<i32>} : memref<32768xf32, #tpu.memory_space<vmem>>, vector<16xf32>,
      %get3A_206 = vector.shape_cast %get3A_205 : vector<16xf32> to vector<16xf32>
      %add3A_207 = arith.constant 2 : i32
      %add3A_208 = arith.addi %mul3A_64, %add3A_207 : i32
      %swap3A_209 = arith.index_cast %add3A_208 : i32 to index
      %swap3A_210 = arith.constant 32 : index
      %swap3A_211 = tpu.vector_load %arg7[%swap3A_209, %swap3A_210] {strides = array<i32>} : memref<512x64xf32, #tpu.memory_space<vmem>>, vector<1x16xf32>,
      %swap3A_212 = vector.shape_cast %swap3A_211 : vector<1x16xf32> to vector<16xf32>
      %swap3A_213 = vector.shape_cast %get3A_206 : vector<16xf32> to vector<1x16xf32>
      tpu.vector_store %arg7[%swap3A_209, %swap3A_210], %swap3A_213 {strides = array<i32>} : memref<512x64xf32, #tpu.memory_space<vmem>>, vector<1x16xf32>,
      %add3A_214 = arith.constant 48 : i32
      %add3A_215 = arith.addi %mul3A_177, %add3A_214 : i32
      %get3A_216 = arith.index_cast %add3A_215 : i32 to index
      %get3A_217 = tpu.vector_load %arg5[%get3A_216] {strides = array<i32>} : memref<32768xf32, #tpu.memory_space<vmem>>, vector<16xf32>,
      %get3A_218 = vector.shape_cast %get3A_217 : vector<16xf32> to vector<16xf32>
      %add3A_219 = arith.constant 2 : i32
      %add3A_220 = arith.addi %mul3A_64, %add3A_219 : i32
      %swap3A_221 = arith.index_cast %add3A_220 : i32 to index
      %swap3A_222 = arith.constant 48 : index
      %swap3A_223 = tpu.vector_load %arg7[%swap3A_221, %swap3A_222] {strides = array<i32>} : memref<512x64xf32, #tpu.memory_space<vmem>>, vector<1x16xf32>,
      %swap3A_224 = vector.shape_cast %swap3A_223 : vector<1x16xf32> to vector<16xf32>
      %swap3A_225 = vector.shape_cast %get3A_218 : vector<16xf32> to vector<1x16xf32>
      tpu.vector_store %arg7[%swap3A_221, %swap3A_222], %swap3A_225 {strides = array<i32>} : memref<512x64xf32, #tpu.memory_space<vmem>>, vector<1x16xf32>,
      %slice3A_226 = vector.extract_strided_slice %get3A_66 {offsets = [3], sizes = [1], strides = [1]} : vector<16xi32> to vector<1xi32>
      %squeeze3A_227 = vector.extract %slice3A_226[0] : i32 from vector<1xi32>
      %add3A_228 = arith.constant 4 : i32
      %add3A_229 = arith.addi %squeeze3A_227, %add3A_228 : i32
      %mul3A_230 = arith.constant 64 : i32
      %mul3A_231 = arith.muli %add3A_229, %mul3A_230 : i32
      %add3A_232 = arith.constant 0 : i32
      %add3A_233 = arith.addi %mul3A_231, %add3A_232 : i32
      %get3A_234 = arith.index_cast %add3A_233 : i32 to index
      %get3A_235 = tpu.vector_load %arg5[%get3A_234] {strides = array<i32>} : memref<32768xf32, #tpu.memory_space<vmem>>, vector<16xf32>,
      %get3A_236 = vector.shape_cast %get3A_235 : vector<16xf32> to vector<16xf32>
      %add3A_237 = arith.constant 3 : i32
      %add3A_238 = arith.addi %mul3A_64, %add3A_237 : i32
      %swap3A_239 = arith.index_cast %add3A_238 : i32 to index
      %swap3A_240 = arith.constant 0 : index
      %swap3A_241 = tpu.vector_load %arg7[%swap3A_239, %swap3A_240] {strides = array<i32>} : memref<512x64xf32, #tpu.memory_space<vmem>>, vector<1x16xf32>,
      %swap3A_242 = vector.shape_cast %swap3A_241 : vector<1x16xf32> to vector<16xf32>
      %swap3A_243 = vector.shape_cast %get3A_236 : vector<16xf32> to vector<1x16xf32>
      tpu.vector_store %arg7[%swap3A_239, %swap3A_240], %swap3A_243 {strides = array<i32>} : memref<512x64xf32, #tpu.memory_space<vmem>>, vector<1x16xf32>,
      %add3A_244 = arith.constant 16 : i32
      %add3A_245 = arith.addi %mul3A_231, %add3A_244 : i32
      %get3A_246 = arith.index_cast %add3A_245 : i32 to index
      %get3A_247 = tpu.vector_load %arg5[%get3A_246] {strides = array<i32>} : memref<32768xf32, #tpu.memory_space<vmem>>, vector<16xf32>,
      %get3A_248 = vector.shape_cast %get3A_247 : vector<16xf32> to vector<16xf32>
      %add3A_249 = arith.constant 3 : i32
      %add3A_250 = arith.addi %mul3A_64, %add3A_249 : i32
      %swap3A_251 = arith.index_cast %add3A_250 : i32 to index
      %swap3A_252 = arith.constant 16 : index
      %swap3A_253 = tpu.vector_load %arg7[%swap3A_251, %swap3A_252] {strides = array<i32>} : memref<512x64xf32, #tpu.memory_space<vmem>>, vector<1x16xf32>,
      %swap3A_254 = vector.shape_cast %swap3A_253 : vector<1x16xf32> to vector<16xf32>
      %swap3A_255 = vector.shape_cast %get3A_248 : vector<16xf32> to vector<1x16xf32>
      tpu.vector_store %arg7[%swap3A_251, %swap3A_252], %swap3A_255 {strides = array<i32>} : memref<512x64xf32, #tpu.memory_space<vmem>>, vector<1x16xf32>,
      %add3A_256 = arith.constant 32 : i32
      %add3A_257 = arith.addi %mul3A_231, %add3A_256 : i32
      %get3A_258 = arith.index_cast %add3A_257 : i32 to index
      %get3A_259 = tpu.vector_load %arg5[%get3A_258] {strides = array<i32>} : memref<32768xf32, #tpu.memory_space<vmem>>, vector<16xf32>,
      %get3A_260 = vector.shape_cast %get3A_259 : vector<16xf32> to vector<16xf32>
      %add3A_261 = arith.constant 3 : i32
      %add3A_262 = arith.addi %mul3A_64, %add3A_261 : i32
      %swap3A_263 = arith.index_cast %add3A_262 : i32 to index
      %swap3A_264 = arith.constant 32 : index
      %swap3A_265 = tpu.vector_load %arg7[%swap3A_263, %swap3A_264] {strides = array<i32>} : memref<512x64xf32, #tpu.memory_space<vmem>>, vector<1x16xf32>,
      %swap3A_266 = vector.shape_cast %swap3A_265 : vector<1x16xf32> to vector<16xf32>
      %swap3A_267 = vector.shape_cast %get3A_260 : vector<16xf32> to vector<1x16xf32>
      tpu.vector_store %arg7[%swap3A_263, %swap3A_264], %swap3A_267 {strides = array<i32>} : memref<512x64xf32, #tpu.memory_space<vmem>>, vector<1x16xf32>,
      %add3A_268 = arith.constant 48 : i32
      %add3A_269 = arith.addi %mul3A_231, %add3A_268 : i32
      %get3A_270 = arith.index_cast %add3A_269 : i32 to index
      %get3A_271 = tpu.vector_load %arg5[%get3A_270] {strides = array<i32>} : memref<32768xf32, #tpu.memory_space<vmem>>, vector<16xf32>,
      %get3A_272 = vector.shape_cast %get3A_271 : vector<16xf32> to vector<16xf32>
      %add3A_273 = arith.constant 3 : i32
      %add3A_274 = arith.addi %mul3A_64, %add3A_273 : i32
      %swap3A_275 = arith.index_cast %add3A_274 : i32 to index
      %swap3A_276 = arith.constant 48 : index
      %swap3A_277 = tpu.vector_load %arg7[%swap3A_275, %swap3A_276] {strides = array<i32>} : memref<512x64xf32, #tpu.memory_space<vmem>>, vector<1x16xf32>,
      %swap3A_278 = vector.shape_cast %swap3A_277 : vector<1x16xf32> to vector<16xf32>
      %swap3A_279 = vector.shape_cast %get3A_272 : vector<16xf32> to vector<1x16xf32>
      tpu.vector_store %arg7[%swap3A_275, %swap3A_276], %swap3A_279 {strides = array<i32>} : memref<512x64xf32, #tpu.memory_space<vmem>>, vector<1x16xf32>,
      %slice3A_280 = vector.extract_strided_slice %get3A_66 {offsets = [4], sizes = [1], strides = [1]} : vector<16xi32> to vector<1xi32>
      %squeeze3A_281 = vector.extract %slice3A_280[0] : i32 from vector<1xi32>
      %add3A_282 = arith.constant 4 : i32
      %add3A_283 = arith.addi %squeeze3A_281, %add3A_282 : i32
      %mul3A_284 = arith.constant 64 : i32
      %mul3A_285 = arith.muli %add3A_283, %mul3A_284 : i32
      %add3A_286 = arith.constant 0 : i32
      %add3A_287 = arith.addi %mul3A_285, %add3A_286 : i32
      %get3A_288 = arith.index_cast %add3A_287 : i32 to index
      %get3A_289 = tpu.vector_load %arg5[%get3A_288] {strides = array<i32>} : memref<32768xf32, #tpu.memory_space<vmem>>, vector<16xf32>,
      %get3A_290 = vector.shape_cast %get3A_289 : vector<16xf32> to vector<16xf32>
      %add3A_291 = arith.constant 4 : i32
      %add3A_292 = arith.addi %mul3A_64, %add3A_291 : i32
      %swap3A_293 = arith.index_cast %add3A_292 : i32 to index
      %swap3A_294 = arith.constant 0 : index
      %swap3A_295 = tpu.vector_load %arg7[%swap3A_293, %swap3A_294] {strides = array<i32>} : memref<512x64xf32, #tpu.memory_space<vmem>>, vector<1x16xf32>,
      %swap3A_296 = vector.shape_cast %swap3A_295 : vector<1x16xf32> to vector<16xf32>
      %swap3A_297 = vector.shape_cast %get3A_290 : vector<16xf32> to vector<1x16xf32>
      tpu.vector_store %arg7[%swap3A_293, %swap3A_294], %swap3A_297 {strides = array<i32>} : memref<512x64xf32, #tpu.memory_space<vmem>>, vector<1x16xf32>,
      %add3A_298 = arith.constant 16 : i32
      %add3A_299 = arith.addi %mul3A_285, %add3A_298 : i32
      %get3A_300 = arith.index_cast %add3A_299 : i32 to index
      %get3A_301 = tpu.vector_load %arg5[%get3A_300] {strides = array<i32>} : memref<32768xf32, #tpu.memory_space<vmem>>, vector<16xf32>,
      %get3A_302 = vector.shape_cast %get3A_301 : vector<16xf32> to vector<16xf32>
      %add3A_303 = arith.constant 4 : i32
      %add3A_304 = arith.addi %mul3A_64, %add3A_303 : i32
      %swap3A_305 = arith.index_cast %add3A_304 : i32 to index
      %swap3A_306 = arith.constant 16 : index
      %swap3A_307 = tpu.vector_load %arg7[%swap3A_305, %swap3A_306] {strides = array<i32>} : memref<512x64xf32, #tpu.memory_space<vmem>>, vector<1x16xf32>,
      %swap3A_308 = vector.shape_cast %swap3A_307 : vector<1x16xf32> to vector<16xf32>
      %swap3A_309 = vector.shape_cast %get3A_302 : vector<16xf32> to vector<1x16xf32>
      tpu.vector_store %arg7[%swap3A_305, %swap3A_306], %swap3A_309 {strides = array<i32>} : memref<512x64xf32, #tpu.memory_space<vmem>>, vector<1x16xf32>,
      %add3A_310 = arith.constant 32 : i32
      %add3A_311 = arith.addi %mul3A_285, %add3A_310 : i32
      %get3A_312 = arith.index_cast %add3A_311 : i32 to index
      %get3A_313 = tpu.vector_load %arg5[%get3A_312] {strides = array<i32>} : memref<32768xf32, #tpu.memory_space<vmem>>, vector<16xf32>,
      %get3A_314 = vector.shape_cast %get3A_313 : vector<16xf32> to vector<16xf32>
      %add3A_315 = arith.constant 4 : i32
      %add3A_316 = arith.addi %mul3A_64, %add3A_315 : i32
      %swap3A_317 = arith.index_cast %add3A_316 : i32 to index
      %swap3A_318 = arith.constant 32 : index
      %swap3A_319 = tpu.vector_load %arg7[%swap3A_317, %swap3A_318] {strides = array<i32>} : memref<512x64xf32, #tpu.memory_space<vmem>>, vector<1x16xf32>,
      %swap3A_320 = vector.shape_cast %swap3A_319 : vector<1x16xf32> to vector<16xf32>
      %swap3A_321 = vector.shape_cast %get3A_314 : vector<16xf32> to vector<1x16xf32>
      tpu.vector_store %arg7[%swap3A_317, %swap3A_318], %swap3A_321 {strides = array<i32>} : memref<512x64xf32, #tpu.memory_space<vmem>>, vector<1x16xf32>,
      %add3A_322 = arith.constant 48 : i32
      %add3A_323 = arith.addi %mul3A_285, %add3A_322 : i32
      %get3A_324 = arith.index_cast %add3A_323 : i32 to index
      %get3A_325 = tpu.vector_load %arg5[%get3A_324] {strides = array<i32>} : memref<32768xf32, #tpu.memory_space<vmem>>, vector<16xf32>,
      %get3A_326 = vector.shape_cast %get3A_325 : vector<16xf32> to vector<16xf32>
      %add3A_327 = arith.constant 4 : i32
      %add3A_328 = arith.addi %mul3A_64, %add3A_327 : i32
      %swap3A_329 = arith.index_cast %add3A_328 : i32 to index
      %swap3A_330 = arith.constant 48 : index
      %swap3A_331 = tpu.vector_load %arg7[%swap3A_329, %swap3A_330] {strides = array<i32>} : memref<512x64xf32, #tpu.memory_space<vmem>>, vector<1x16xf32>,
      %swap3A_332 = vector.shape_cast %swap3A_331 : vector<1x16xf32> to vector<16xf32>
      %swap3A_333 = vector.shape_cast %get3A_326 : vector<16xf32> to vector<1x16xf32>
      tpu.vector_store %arg7[%swap3A_329, %swap3A_330], %swap3A_333 {strides = array<i32>} : memref<512x64xf32, #tpu.memory_space<vmem>>, vector<1x16xf32>,
      %slice3A_334 = vector.extract_strided_slice %get3A_66 {offsets = [5], sizes = [1], strides = [1]} : vector<16xi32> to vector<1xi32>
      %squeeze3A_335 = vector.extract %slice3A_334[0] : i32 from vector<1xi32>
      %add3A_336 = arith.constant 4 : i32
      %add3A_337 = arith.addi %squeeze3A_335, %add3A_336 : i32
      %mul3A_338 = arith.constant 64 : i32
      %mul3A_339 = arith.muli %add3A_337, %mul3A_338 : i32
      %add3A_340 = arith.constant 0 : i32
      %add3A_341 = arith.addi %mul3A_339, %add3A_340 : i32
      %get3A_342 = arith.index_cast %add3A_341 : i32 to index
      %get3A_343 = tpu.vector_load %arg5[%get3A_342] {strides = array<i32>} : memref<32768xf32, #tpu.memory_space<vmem>>, vector<16xf32>,
      %get3A_344 = vector.shape_cast %get3A_343 : vector<16xf32> to vector<16xf32>
      %add3A_345 = arith.constant 5 : i32
      %add3A_346 = arith.addi %mul3A_64, %add3A_345 : i32
      %swap3A_347 = arith.index_cast %add3A_346 : i32 to index
      %swap3A_348 = arith.constant 0 : index
      %swap3A_349 = tpu.vector_load %arg7[%swap3A_347, %swap3A_348] {strides = array<i32>} : memref<512x64xf32, #tpu.memory_space<vmem>>, vector<1x16xf32>,
      %swap3A_350 = vector.shape_cast %swap3A_349 : vector<1x16xf32> to vector<16xf32>
      %swap3A_351 = vector.shape_cast %get3A_344 : vector<16xf32> to vector<1x16xf32>
      tpu.vector_store %arg7[%swap3A_347, %swap3A_348], %swap3A_351 {strides = array<i32>} : memref<512x64xf32, #tpu.memory_space<vmem>>, vector<1x16xf32>,
      %add3A_352 = arith.constant 16 : i32
      %add3A_353 = arith.addi %mul3A_339, %add3A_352 : i32
      %get3A_354 = arith.index_cast %add3A_353 : i32 to index
      %get3A_355 = tpu.vector_load %arg5[%get3A_354] {strides = array<i32>} : memref<32768xf32, #tpu.memory_space<vmem>>, vector<16xf32>,
      %get3A_356 = vector.shape_cast %get3A_355 : vector<16xf32> to vector<16xf32>
      %add3A_357 = arith.constant 5 : i32
      %add3A_358 = arith.addi %mul3A_64, %add3A_357 : i32
      %swap3A_359 = arith.index_cast %add3A_358 : i32 to index
      %swap3A_360 = arith.constant 16 : index
      %swap3A_361 = tpu.vector_load %arg7[%swap3A_359, %swap3A_360] {strides = array<i32>} : memref<512x64xf32, #tpu.memory_space<vmem>>, vector<1x16xf32>,
      %swap3A_362 = vector.shape_cast %swap3A_361 : vector<1x16xf32> to vector<16xf32>
      %swap3A_363 = vector.shape_cast %get3A_356 : vector<16xf32> to vector<1x16xf32>
      tpu.vector_store %arg7[%swap3A_359, %swap3A_360], %swap3A_363 {strides = array<i32>} : memref<512x64xf32, #tpu.memory_space<vmem>>, vector<1x16xf32>,
      %add3A_364 = arith.constant 32 : i32
      %add3A_365 = arith.addi %mul3A_339, %add3A_364 : i32
      %get3A_366 = arith.index_cast %add3A_365 : i32 to index
      %get3A_367 = tpu.vector_load %arg5[%get3A_366] {strides = array<i32>} : memref<32768xf32, #tpu.memory_space<vmem>>, vector<16xf32>,
      %get3A_368 = vector.shape_cast %get3A_367 : vector<16xf32> to vector<16xf32>
      %add3A_369 = arith.constant 5 : i32
      %add3A_370 = arith.addi %mul3A_64, %add3A_369 : i32
      %swap3A_371 = arith.index_cast %add3A_370 : i32 to index
      %swap3A_372 = arith.constant 32 : index
      %swap3A_373 = tpu.vector_load %arg7[%swap3A_371, %swap3A_372] {strides = array<i32>} : memref<512x64xf32, #tpu.memory_space<vmem>>, vector<1x16xf32>,
      %swap3A_374 = vector.shape_cast %swap3A_373 : vector<1x16xf32> to vector<16xf32>
      %swap3A_375 = vector.shape_cast %get3A_368 : vector<16xf32> to vector<1x16xf32>
      tpu.vector_store %arg7[%swap3A_371, %swap3A_372], %swap3A_375 {strides = array<i32>} : memref<512x64xf32, #tpu.memory_space<vmem>>, vector<1x16xf32>,
      %add3A_376 = arith.constant 48 : i32
      %add3A_377 = arith.addi %mul3A_339, %add3A_376 : i32
      %get3A_378 = arith.index_cast %add3A_377 : i32 to index
      %get3A_379 = tpu.vector_load %arg5[%get3A_378] {strides = array<i32>} : memref<32768xf32, #tpu.memory_space<vmem>>, vector<16xf32>,
      %get3A_380 = vector.shape_cast %get3A_379 : vector<16xf32> to vector<16xf32>
      %add3A_381 = arith.constant 5 : i32
      %add3A_382 = arith.addi %mul3A_64, %add3A_381 : i32
      %swap3A_383 = arith.index_cast %add3A_382 : i32 to index
      %swap3A_384 = arith.constant 48 : index
      %swap3A_385 = tpu.vector_load %arg7[%swap3A_383, %swap3A_384] {strides = array<i32>} : memref<512x64xf32, #tpu.memory_space<vmem>>, vector<1x16xf32>,
      %swap3A_386 = vector.shape_cast %swap3A_385 : vector<1x16xf32> to vector<16xf32>
      %swap3A_387 = vector.shape_cast %get3A_380 : vector<16xf32> to vector<1x16xf32>
      tpu.vector_store %arg7[%swap3A_383, %swap3A_384], %swap3A_387 {strides = array<i32>} : memref<512x64xf32, #tpu.memory_space<vmem>>, vector<1x16xf32>,
      %slice3A_388 = vector.extract_strided_slice %get3A_66 {offsets = [6], sizes = [1], strides = [1]} : vector<16xi32> to vector<1xi32>
      %squeeze3A_389 = vector.extract %slice3A_388[0] : i32 from vector<1xi32>
      %add3A_390 = arith.constant 4 : i32
      %add3A_391 = arith.addi %squeeze3A_389, %add3A_390 : i32
      %mul3A_392 = arith.constant 64 : i32
      %mul3A_393 = arith.muli %add3A_391, %mul3A_392 : i32
      %add3A_394 = arith.constant 0 : i32
      %add3A_395 = arith.addi %mul3A_393, %add3A_394 : i32
      %get3A_396 = arith.index_cast %add3A_395 : i32 to index
      %get3A_397 = tpu.vector_load %arg5[%get3A_396] {strides = array<i32>} : memref<32768xf32, #tpu.memory_space<vmem>>, vector<16xf32>,
      %get3A_398 = vector.shape_cast %get3A_397 : vector<16xf32> to vector<16xf32>
      %add3A_399 = arith.constant 6 : i32
      %add3A_400 = arith.addi %mul3A_64, %add3A_399 : i32
      %swap3A_401 = arith.index_cast %add3A_400 : i32 to index
      %swap3A_402 = arith.constant 0 : index
      %swap3A_403 = tpu.vector_load %arg7[%swap3A_401, %swap3A_402] {strides = array<i32>} : memref<512x64xf32, #tpu.memory_space<vmem>>, vector<1x16xf32>,
      %swap3A_404 = vector.shape_cast %swap3A_403 : vector<1x16xf32> to vector<16xf32>
      %swap3A_405 = vector.shape_cast %get3A_398 : vector<16xf32> to vector<1x16xf32>
      tpu.vector_store %arg7[%swap3A_401, %swap3A_402], %swap3A_405 {strides = array<i32>} : memref<512x64xf32, #tpu.memory_space<vmem>>, vector<1x16xf32>,
      %add3A_406 = arith.constant 16 : i32
      %add3A_407 = arith.addi %mul3A_393, %add3A_406 : i32
      %get3A_408 = arith.index_cast %add3A_407 : i32 to index
      %get3A_409 = tpu.vector_load %arg5[%get3A_408] {strides = array<i32>} : memref<32768xf32, #tpu.memory_space<vmem>>, vector<16xf32>,
      %get3A_410 = vector.shape_cast %get3A_409 : vector<16xf32> to vector<16xf32>
      %add3A_411 = arith.constant 6 : i32
      %add3A_412 = arith.addi %mul3A_64, %add3A_411 : i32
      %swap3A_413 = arith.index_cast %add3A_412 : i32 to index
      %swap3A_414 = arith.constant 16 : index
      %swap3A_415 = tpu.vector_load %arg7[%swap3A_413, %swap3A_414] {strides = array<i32>} : memref<512x64xf32, #tpu.memory_space<vmem>>, vector<1x16xf32>,
      %swap3A_416 = vector.shape_cast %swap3A_415 : vector<1x16xf32> to vector<16xf32>
      %swap3A_417 = vector.shape_cast %get3A_410 : vector<16xf32> to vector<1x16xf32>
      tpu.vector_store %arg7[%swap3A_413, %swap3A_414], %swap3A_417 {strides = array<i32>} : memref<512x64xf32, #tpu.memory_space<vmem>>, vector<1x16xf32>,
      %add3A_418 = arith.constant 32 : i32
      %add3A_419 = arith.addi %mul3A_393, %add3A_418 : i32
      %get3A_420 = arith.index_cast %add3A_419 : i32 to index
      %get3A_421 = tpu.vector_load %arg5[%get3A_420] {strides = array<i32>} : memref<32768xf32, #tpu.memory_space<vmem>>, vector<16xf32>,
      %get3A_422 = vector.shape_cast %get3A_421 : vector<16xf32> to vector<16xf32>
      %add3A_423 = arith.constant 6 : i32
      %add3A_424 = arith.addi %mul3A_64, %add3A_423 : i32
      %swap3A_425 = arith.index_cast %add3A_424 : i32 to index
      %swap3A_426 = arith.constant 32 : index
      %swap3A_427 = tpu.vector_load %arg7[%swap3A_425, %swap3A_426] {strides = array<i32>} : memref<512x64xf32, #tpu.memory_space<vmem>>, vector<1x16xf32>,
      %swap3A_428 = vector.shape_cast %swap3A_427 : vector<1x16xf32> to vector<16xf32>
      %swap3A_429 = vector.shape_cast %get3A_422 : vector<16xf32> to vector<1x16xf32>
      tpu.vector_store %arg7[%swap3A_425, %swap3A_426], %swap3A_429 {strides = array<i32>} : memref<512x64xf32, #tpu.memory_space<vmem>>, vector<1x16xf32>,
      %add3A_430 = arith.constant 48 : i32
      %add3A_431 = arith.addi %mul3A_393, %add3A_430 : i32
      %get3A_432 = arith.index_cast %add3A_431 : i32 to index
      %get3A_433 = tpu.vector_load %arg5[%get3A_432] {strides = array<i32>} : memref<32768xf32, #tpu.memory_space<vmem>>, vector<16xf32>,
      %get3A_434 = vector.shape_cast %get3A_433 : vector<16xf32> to vector<16xf32>
      %add3A_435 = arith.constant 6 : i32
      %add3A_436 = arith.addi %mul3A_64, %add3A_435 : i32
      %swap3A_437 = arith.index_cast %add3A_436 : i32 to index
      %swap3A_438 = arith.constant 48 : index
      %swap3A_439 = tpu.vector_load %arg7[%swap3A_437, %swap3A_438] {strides = array<i32>} : memref<512x64xf32, #tpu.memory_space<vmem>>, vector<1x16xf32>,
      %swap3A_440 = vector.shape_cast %swap3A_439 : vector<1x16xf32> to vector<16xf32>
      %swap3A_441 = vector.shape_cast %get3A_434 : vector<16xf32> to vector<1x16xf32>
      tpu.vector_store %arg7[%swap3A_437, %swap3A_438], %swap3A_441 {strides = array<i32>} : memref<512x64xf32, #tpu.memory_space<vmem>>, vector<1x16xf32>,
      %slice3A_442 = vector.extract_strided_slice %get3A_66 {offsets = [7], sizes = [1], strides = [1]} : vector<16xi32> to vector<1xi32>
      %squeeze3A_443 = vector.extract %slice3A_442[0] : i32 from vector<1xi32>
      %add3A_444 = arith.constant 4 : i32
      %add3A_445 = arith.addi %squeeze3A_443, %add3A_444 : i32
      %mul3A_446 = arith.constant 64 : i32
      %mul3A_447 = arith.muli %add3A_445, %mul3A_446 : i32
      %add3A_448 = arith.constant 0 : i32
      %add3A_449 = arith.addi %mul3A_447, %add3A_448 : i32
      %get3A_450 = arith.index_cast %add3A_449 : i32 to index
      %get3A_451 = tpu.vector_load %arg5[%get3A_450] {strides = array<i32>} : memref<32768xf32, #tpu.memory_space<vmem>>, vector<16xf32>,
      %get3A_452 = vector.shape_cast %get3A_451 : vector<16xf32> to vector<16xf32>
      %add3A_453 = arith.constant 7 : i32
      %add3A_454 = arith.addi %mul3A_64, %add3A_453 : i32
      %swap3A_455 = arith.index_cast %add3A_454 : i32 to index
      %swap3A_456 = arith.constant 0 : index
      %swap3A_457 = tpu.vector_load %arg7[%swap3A_455, %swap3A_456] {strides = array<i32>} : memref<512x64xf32, #tpu.memory_space<vmem>>, vector<1x16xf32>,
      %swap3A_458 = vector.shape_cast %swap3A_457 : vector<1x16xf32> to vector<16xf32>
      %swap3A_459 = vector.shape_cast %get3A_452 : vector<16xf32> to vector<1x16xf32>
      tpu.vector_store %arg7[%swap3A_455, %swap3A_456], %swap3A_459 {strides = array<i32>} : memref<512x64xf32, #tpu.memory_space<vmem>>, vector<1x16xf32>,
      %add3A_460 = arith.constant 16 : i32
      %add3A_461 = arith.addi %mul3A_447, %add3A_460 : i32
      %get3A_462 = arith.index_cast %add3A_461 : i32 to index
      %get3A_463 = tpu.vector_load %arg5[%get3A_462] {strides = array<i32>} : memref<32768xf32, #tpu.memory_space<vmem>>, vector<16xf32>,
      %get3A_464 = vector.shape_cast %get3A_463 : vector<16xf32> to vector<16xf32>
      %add3A_465 = arith.constant 7 : i32
      %add3A_466 = arith.addi %mul3A_64, %add3A_465 : i32
      %swap3A_467 = arith.index_cast %add3A_466 : i32 to index
      %swap3A_468 = arith.constant 16 : index
      %swap3A_469 = tpu.vector_load %arg7[%swap3A_467, %swap3A_468] {strides = array<i32>} : memref<512x64xf32, #tpu.memory_space<vmem>>, vector<1x16xf32>,
      %swap3A_470 = vector.shape_cast %swap3A_469 : vector<1x16xf32> to vector<16xf32>
      %swap3A_471 = vector.shape_cast %get3A_464 : vector<16xf32> to vector<1x16xf32>
      tpu.vector_store %arg7[%swap3A_467, %swap3A_468], %swap3A_471 {strides = array<i32>} : memref<512x64xf32, #tpu.memory_space<vmem>>, vector<1x16xf32>,
      %add3A_472 = arith.constant 32 : i32
      %add3A_473 = arith.addi %mul3A_447, %add3A_472 : i32
      %get3A_474 = arith.index_cast %add3A_473 : i32 to index
      %get3A_475 = tpu.vector_load %arg5[%get3A_474] {strides = array<i32>} : memref<32768xf32, #tpu.memory_space<vmem>>, vector<16xf32>,
      %get3A_476 = vector.shape_cast %get3A_475 : vector<16xf32> to vector<16xf32>
      %add3A_477 = arith.constant 7 : i32
      %add3A_478 = arith.addi %mul3A_64, %add3A_477 : i32
      %swap3A_479 = arith.index_cast %add3A_478 : i32 to index
      %swap3A_480 = arith.constant 32 : index
      %swap3A_481 = tpu.vector_load %arg7[%swap3A_479, %swap3A_480] {strides = array<i32>} : memref<512x64xf32, #tpu.memory_space<vmem>>, vector<1x16xf32>,
      %swap3A_482 = vector.shape_cast %swap3A_481 : vector<1x16xf32> to vector<16xf32>
      %swap3A_483 = vector.shape_cast %get3A_476 : vector<16xf32> to vector<1x16xf32>
      tpu.vector_store %arg7[%swap3A_479, %swap3A_480], %swap3A_483 {strides = array<i32>} : memref<512x64xf32, #tpu.memory_space<vmem>>, vector<1x16xf32>,
      %add3A_484 = arith.constant 48 : i32
      %add3A_485 = arith.addi %mul3A_447, %add3A_484 : i32
      %get3A_486 = arith.index_cast %add3A_485 : i32 to index
      %get3A_487 = tpu.vector_load %arg5[%get3A_486] {strides = array<i32>} : memref<32768xf32, #tpu.memory_space<vmem>>, vector<16xf32>,
      %get3A_488 = vector.shape_cast %get3A_487 : vector<16xf32> to vector<16xf32>
      %add3A_489 = arith.constant 7 : i32
      %add3A_490 = arith.addi %mul3A_64, %add3A_489 : i32
      %swap3A_491 = arith.index_cast %add3A_490 : i32 to index
      %swap3A_492 = arith.constant 48 : index
      %swap3A_493 = tpu.vector_load %arg7[%swap3A_491, %swap3A_492] {strides = array<i32>} : memref<512x64xf32, #tpu.memory_space<vmem>>, vector<1x16xf32>,
      %swap3A_494 = vector.shape_cast %swap3A_493 : vector<1x16xf32> to vector<16xf32>
      %swap3A_495 = vector.shape_cast %get3A_488 : vector<16xf32> to vector<1x16xf32>
      tpu.vector_store %arg7[%swap3A_491, %swap3A_492], %swap3A_495 {strides = array<i32>} : memref<512x64xf32, #tpu.memory_space<vmem>>, vector<1x16xf32>,
      %slice3A_496 = vector.extract_strided_slice %get3A_66 {offsets = [8], sizes = [1], strides = [1]} : vector<16xi32> to vector<1xi32>
      %squeeze3A_497 = vector.extract %slice3A_496[0] : i32 from vector<1xi32>
      %add3A_498 = arith.constant 4 : i32
      %add3A_499 = arith.addi %squeeze3A_497, %add3A_498 : i32
      %mul3A_500 = arith.constant 64 : i32
      %mul3A_501 = arith.muli %add3A_499, %mul3A_500 : i32
      %add3A_502 = arith.constant 0 : i32
      %add3A_503 = arith.addi %mul3A_501, %add3A_502 : i32
      %get3A_504 = arith.index_cast %add3A_503 : i32 to index
      %get3A_505 = tpu.vector_load %arg5[%get3A_504] {strides = array<i32>} : memref<32768xf32, #tpu.memory_space<vmem>>, vector<16xf32>,
      %get3A_506 = vector.shape_cast %get3A_505 : vector<16xf32> to vector<16xf32>
      %add3A_507 = arith.constant 8 : i32
      %add3A_508 = arith.addi %mul3A_64, %add3A_507 : i32
      %swap3A_509 = arith.index_cast %add3A_508 : i32 to index
      %swap3A_510 = arith.constant 0 : index
      %swap3A_511 = tpu.vector_load %arg7[%swap3A_509, %swap3A_510] {strides = array<i32>} : memref<512x64xf32, #tpu.memory_space<vmem>>, vector<1x16xf32>,
      %swap3A_512 = vector.shape_cast %swap3A_511 : vector<1x16xf32> to vector<16xf32>
      %swap3A_513 = vector.shape_cast %get3A_506 : vector<16xf32> to vector<1x16xf32>
      tpu.vector_store %arg7[%swap3A_509, %swap3A_510], %swap3A_513 {strides = array<i32>} : memref<512x64xf32, #tpu.memory_space<vmem>>, vector<1x16xf32>,
      %add3A_514 = arith.constant 16 : i32
      %add3A_515 = arith.addi %mul3A_501, %add3A_514 : i32
      %get3A_516 = arith.index_cast %add3A_515 : i32 to index
      %get3A_517 = tpu.vector_load %arg5[%get3A_516] {strides = array<i32>} : memref<32768xf32, #tpu.memory_space<vmem>>, vector<16xf32>,
      %get3A_518 = vector.shape_cast %get3A_517 : vector<16xf32> to vector<16xf32>
      %add3A_519 = arith.constant 8 : i32
      %add3A_520 = arith.addi %mul3A_64, %add3A_519 : i32
      %swap3A_521 = arith.index_cast %add3A_520 : i32 to index
      %swap3A_522 = arith.constant 16 : index
      %swap3A_523 = tpu.vector_load %arg7[%swap3A_521, %swap3A_522] {strides = array<i32>} : memref<512x64xf32, #tpu.memory_space<vmem>>, vector<1x16xf32>,
      %swap3A_524 = vector.shape_cast %swap3A_523 : vector<1x16xf32> to vector<16xf32>
      %swap3A_525 = vector.shape_cast %get3A_518 : vector<16xf32> to vector<1x16xf32>
      tpu.vector_store %arg7[%swap3A_521, %swap3A_522], %swap3A_525 {strides = array<i32>} : memref<512x64xf32, #tpu.memory_space<vmem>>, vector<1x16xf32>,
      %add3A_526 = arith.constant 32 : i32
      %add3A_527 = arith.addi %mul3A_501, %add3A_526 : i32
      %get3A_528 = arith.index_cast %add3A_527 : i32 to index
      %get3A_529 = tpu.vector_load %arg5[%get3A_528] {strides = array<i32>} : memref<32768xf32, #tpu.memory_space<vmem>>, vector<16xf32>,
      %get3A_530 = vector.shape_cast %get3A_529 : vector<16xf32> to vector<16xf32>
      %add3A_531 = arith.constant 8 : i32
      %add3A_532 = arith.addi %mul3A_64, %add3A_531 : i32
      %swap3A_533 = arith.index_cast %add3A_532 : i32 to index
      %swap3A_534 = arith.constant 32 : index
      %swap3A_535 = tpu.vector_load %arg7[%swap3A_533, %swap3A_534] {strides = array<i32>} : memref<512x64xf32, #tpu.memory_space<vmem>>, vector<1x16xf32>,
      %swap3A_536 = vector.shape_cast %swap3A_535 : vector<1x16xf32> to vector<16xf32>
      %swap3A_537 = vector.shape_cast %get3A_530 : vector<16xf32> to vector<1x16xf32>
      tpu.vector_store %arg7[%swap3A_533, %swap3A_534], %swap3A_537 {strides = array<i32>} : memref<512x64xf32, #tpu.memory_space<vmem>>, vector<1x16xf32>,
      %add3A_538 = arith.constant 48 : i32
      %add3A_539 = arith.addi %mul3A_501, %add3A_538 : i32
      %get3A_540 = arith.index_cast %add3A_539 : i32 to index
      %get3A_541 = tpu.vector_load %arg5[%get3A_540] {strides = array<i32>} : memref<32768xf32, #tpu.memory_space<vmem>>, vector<16xf32>,
      %get3A_542 = vector.shape_cast %get3A_541 : vector<16xf32> to vector<16xf32>
      %add3A_543 = arith.constant 8 : i32
      %add3A_544 = arith.addi %mul3A_64, %add3A_543 : i32
      %swap3A_545 = arith.index_cast %add3A_544 : i32 to index
      %swap3A_546 = arith.constant 48 : index
      %swap3A_547 = tpu.vector_load %arg7[%swap3A_545, %swap3A_546] {strides = array<i32>} : memref<512x64xf32, #tpu.memory_space<vmem>>, vector<1x16xf32>,
      %swap3A_548 = vector.shape_cast %swap3A_547 : vector<1x16xf32> to vector<16xf32>
      %swap3A_549 = vector.shape_cast %get3A_542 : vector<16xf32> to vector<1x16xf32>
      tpu.vector_store %arg7[%swap3A_545, %swap3A_546], %swap3A_549 {strides = array<i32>} : memref<512x64xf32, #tpu.memory_space<vmem>>, vector<1x16xf32>,
      %slice3A_550 = vector.extract_strided_slice %get3A_66 {offsets = [9], sizes = [1], strides = [1]} : vector<16xi32> to vector<1xi32>
      %squeeze3A_551 = vector.extract %slice3A_550[0] : i32 from vector<1xi32>
      %add3A_552 = arith.constant 4 : i32
      %add3A_553 = arith.addi %squeeze3A_551, %add3A_552 : i32
      %mul3A_554 = arith.constant 64 : i32
      %mul3A_555 = arith.muli %add3A_553, %mul3A_554 : i32
      %add3A_556 = arith.constant 0 : i32
      %add3A_557 = arith.addi %mul3A_555, %add3A_556 : i32
      %get3A_558 = arith.index_cast %add3A_557 : i32 to index
      %get3A_559 = tpu.vector_load %arg5[%get3A_558] {strides = array<i32>} : memref<32768xf32, #tpu.memory_space<vmem>>, vector<16xf32>,
      %get3A_560 = vector.shape_cast %get3A_559 : vector<16xf32> to vector<16xf32>
      %add3A_561 = arith.constant 9 : i32
      %add3A_562 = arith.addi %mul3A_64, %add3A_561 : i32
      %swap3A_563 = arith.index_cast %add3A_562 : i32 to index
      %swap3A_564 = arith.constant 0 : index
      %swap3A_565 = tpu.vector_load %arg7[%swap3A_563, %swap3A_564] {strides = array<i32>} : memref<512x64xf32, #tpu.memory_space<vmem>>, vector<1x16xf32>,
      %swap3A_566 = vector.shape_cast %swap3A_565 : vector<1x16xf32> to vector<16xf32>
      %swap3A_567 = vector.shape_cast %get3A_560 : vector<16xf32> to vector<1x16xf32>
      tpu.vector_store %arg7[%swap3A_563, %swap3A_564], %swap3A_567 {strides = array<i32>} : memref<512x64xf32, #tpu.memory_space<vmem>>, vector<1x16xf32>,
      %add3A_568 = arith.constant 16 : i32
      %add3A_569 = arith.addi %mul3A_555, %add3A_568 : i32
      %get3A_570 = arith.index_cast %add3A_569 : i32 to index
      %get3A_571 = tpu.vector_load %arg5[%get3A_570] {strides = array<i32>} : memref<32768xf32, #tpu.memory_space<vmem>>, vector<16xf32>,
      %get3A_572 = vector.shape_cast %get3A_571 : vector<16xf32> to vector<16xf32>
      %add3A_573 = arith.constant 9 : i32
      %add3A_574 = arith.addi %mul3A_64, %add3A_573 : i32
      %swap3A_575 = arith.index_cast %add3A_574 : i32 to index
      %swap3A_576 = arith.constant 16 : index
      %swap3A_577 = tpu.vector_load %arg7[%swap3A_575, %swap3A_576] {strides = array<i32>} : memref<512x64xf32, #tpu.memory_space<vmem>>, vector<1x16xf32>,
      %swap3A_578 = vector.shape_cast %swap3A_577 : vector<1x16xf32> to vector<16xf32>
      %swap3A_579 = vector.shape_cast %get3A_572 : vector<16xf32> to vector<1x16xf32>
      tpu.vector_store %arg7[%swap3A_575, %swap3A_576], %swap3A_579 {strides = array<i32>} : memref<512x64xf32, #tpu.memory_space<vmem>>, vector<1x16xf32>,
      %add3A_580 = arith.constant 32 : i32
      %add3A_581 = arith.addi %mul3A_555, %add3A_580 : i32
      %get3A_582 = arith.index_cast %add3A_581 : i32 to index
      %get3A_583 = tpu.vector_load %arg5[%get3A_582] {strides = array<i32>} : memref<32768xf32, #tpu.memory_space<vmem>>, vector<16xf32>,
      %get3A_584 = vector.shape_cast %get3A_583 : vector<16xf32> to vector<16xf32>
      %add3A_585 = arith.constant 9 : i32
      %add3A_586 = arith.addi %mul3A_64, %add3A_585 : i32
      %swap3A_587 = arith.index_cast %add3A_586 : i32 to index
      %swap3A_588 = arith.constant 32 : index
      %swap3A_589 = tpu.vector_load %arg7[%swap3A_587, %swap3A_588] {strides = array<i32>} : memref<512x64xf32, #tpu.memory_space<vmem>>, vector<1x16xf32>,
      %swap3A_590 = vector.shape_cast %swap3A_589 : vector<1x16xf32> to vector<16xf32>
      %swap3A_591 = vector.shape_cast %get3A_584 : vector<16xf32> to vector<1x16xf32>
      tpu.vector_store %arg7[%swap3A_587, %swap3A_588], %swap3A_591 {strides = array<i32>} : memref<512x64xf32, #tpu.memory_space<vmem>>, vector<1x16xf32>,
      %add3A_592 = arith.constant 48 : i32
      %add3A_593 = arith.addi %mul3A_555, %add3A_592 : i32
      %get3A_594 = arith.index_cast %add3A_593 : i32 to index
      %get3A_595 = tpu.vector_load %arg5[%get3A_594] {strides = array<i32>} : memref<32768xf32, #tpu.memory_space<vmem>>, vector<16xf32>,
      %get3A_596 = vector.shape_cast %get3A_595 : vector<16xf32> to vector<16xf32>
      %add3A_597 = arith.constant 9 : i32
      %add3A_598 = arith.addi %mul3A_64, %add3A_597 : i32
      %swap3A_599 = arith.index_cast %add3A_598 : i32 to index
      %swap3A_600 = arith.constant 48 : index
      %swap3A_601 = tpu.vector_load %arg7[%swap3A_599, %swap3A_600] {strides = array<i32>} : memref<512x64xf32, #tpu.memory_space<vmem>>, vector<1x16xf32>,
      %swap3A_602 = vector.shape_cast %swap3A_601 : vector<1x16xf32> to vector<16xf32>
      %swap3A_603 = vector.shape_cast %get3A_596 : vector<16xf32> to vector<1x16xf32>
      tpu.vector_store %arg7[%swap3A_599, %swap3A_600], %swap3A_603 {strides = array<i32>} : memref<512x64xf32, #tpu.memory_space<vmem>>, vector<1x16xf32>,
      %slice3A_604 = vector.extract_strided_slice %get3A_66 {offsets = [10], sizes = [1], strides = [1]} : vector<16xi32> to vector<1xi32>
      %squeeze3A_605 = vector.extract %slice3A_604[0] : i32 from vector<1xi32>
      %add3A_606 = arith.constant 4 : i32
      %add3A_607 = arith.addi %squeeze3A_605, %add3A_606 : i32
      %mul3A_608 = arith.constant 64 : i32
      %mul3A_609 = arith.muli %add3A_607, %mul3A_608 : i32
      %add3A_610 = arith.constant 0 : i32
      %add3A_611 = arith.addi %mul3A_609, %add3A_610 : i32
      %get3A_612 = arith.index_cast %add3A_611 : i32 to index
      %get3A_613 = tpu.vector_load %arg5[%get3A_612] {strides = array<i32>} : memref<32768xf32, #tpu.memory_space<vmem>>, vector<16xf32>,
      %get3A_614 = vector.shape_cast %get3A_613 : vector<16xf32> to vector<16xf32>
      %add3A_615 = arith.constant 10 : i32
      %add3A_616 = arith.addi %mul3A_64, %add3A_615 : i32
      %swap3A_617 = arith.index_cast %add3A_616 : i32 to index
      %swap3A_618 = arith.constant 0 : index
      %swap3A_619 = tpu.vector_load %arg7[%swap3A_617, %swap3A_618] {strides = array<i32>} : memref<512x64xf32, #tpu.memory_space<vmem>>, vector<1x16xf32>,
      %swap3A_620 = vector.shape_cast %swap3A_619 : vector<1x16xf32> to vector<16xf32>
      %swap3A_621 = vector.shape_cast %get3A_614 : vector<16xf32> to vector<1x16xf32>
      tpu.vector_store %arg7[%swap3A_617, %swap3A_618], %swap3A_621 {strides = array<i32>} : memref<512x64xf32, #tpu.memory_space<vmem>>, vector<1x16xf32>,
      %add3A_622 = arith.constant 16 : i32
      %add3A_623 = arith.addi %mul3A_609, %add3A_622 : i32
      %get3A_624 = arith.index_cast %add3A_623 : i32 to index
      %get3A_625 = tpu.vector_load %arg5[%get3A_624] {strides = array<i32>} : memref<32768xf32, #tpu.memory_space<vmem>>, vector<16xf32>,
      %get3A_626 = vector.shape_cast %get3A_625 : vector<16xf32> to vector<16xf32>
      %add3A_627 = arith.constant 10 : i32
      %add3A_628 = arith.addi %mul3A_64, %add3A_627 : i32
      %swap3A_629 = arith.index_cast %add3A_628 : i32 to index
      %swap3A_630 = arith.constant 16 : index
      %swap3A_631 = tpu.vector_load %arg7[%swap3A_629, %swap3A_630] {strides = array<i32>} : memref<512x64xf32, #tpu.memory_space<vmem>>, vector<1x16xf32>,
      %swap3A_632 = vector.shape_cast %swap3A_631 : vector<1x16xf32> to vector<16xf32>
      %swap3A_633 = vector.shape_cast %get3A_626 : vector<16xf32> to vector<1x16xf32>
      tpu.vector_store %arg7[%swap3A_629, %swap3A_630], %swap3A_633 {strides = array<i32>} : memref<512x64xf32, #tpu.memory_space<vmem>>, vector<1x16xf32>,
      %add3A_634 = arith.constant 32 : i32
      %add3A_635 = arith.addi %mul3A_609, %add3A_634 : i32
      %get3A_636 = arith.index_cast %add3A_635 : i32 to index
      %get3A_637 = tpu.vector_load %arg5[%get3A_636] {strides = array<i32>} : memref<32768xf32, #tpu.memory_space<vmem>>, vector<16xf32>,
      %get3A_638 = vector.shape_cast %get3A_637 : vector<16xf32> to vector<16xf32>
      %add3A_639 = arith.constant 10 : i32
      %add3A_640 = arith.addi %mul3A_64, %add3A_639 : i32
      %swap3A_641 = arith.index_cast %add3A_640 : i32 to index
      %swap3A_642 = arith.constant 32 : index
      %swap3A_643 = tpu.vector_load %arg7[%swap3A_641, %swap3A_642] {strides = array<i32>} : memref<512x64xf32, #tpu.memory_space<vmem>>, vector<1x16xf32>,
      %swap3A_644 = vector.shape_cast %swap3A_643 : vector<1x16xf32> to vector<16xf32>
      %swap3A_645 = vector.shape_cast %get3A_638 : vector<16xf32> to vector<1x16xf32>
      tpu.vector_store %arg7[%swap3A_641, %swap3A_642], %swap3A_645 {strides = array<i32>} : memref<512x64xf32, #tpu.memory_space<vmem>>, vector<1x16xf32>,
      %add3A_646 = arith.constant 48 : i32
      %add3A_647 = arith.addi %mul3A_609, %add3A_646 : i32
      %get3A_648 = arith.index_cast %add3A_647 : i32 to index
      %get3A_649 = tpu.vector_load %arg5[%get3A_648] {strides = array<i32>} : memref<32768xf32, #tpu.memory_space<vmem>>, vector<16xf32>,
      %get3A_650 = vector.shape_cast %get3A_649 : vector<16xf32> to vector<16xf32>
      %add3A_651 = arith.constant 10 : i32
      %add3A_652 = arith.addi %mul3A_64, %add3A_651 : i32
      %swap3A_653 = arith.index_cast %add3A_652 : i32 to index
      %swap3A_654 = arith.constant 48 : index
      %swap3A_655 = tpu.vector_load %arg7[%swap3A_653, %swap3A_654] {strides = array<i32>} : memref<512x64xf32, #tpu.memory_space<vmem>>, vector<1x16xf32>,
      %swap3A_656 = vector.shape_cast %swap3A_655 : vector<1x16xf32> to vector<16xf32>
      %swap3A_657 = vector.shape_cast %get3A_650 : vector<16xf32> to vector<1x16xf32>
      tpu.vector_store %arg7[%swap3A_653, %swap3A_654], %swap3A_657 {strides = array<i32>} : memref<512x64xf32, #tpu.memory_space<vmem>>, vector<1x16xf32>,
      %slice3A_658 = vector.extract_strided_slice %get3A_66 {offsets = [11], sizes = [1], strides = [1]} : vector<16xi32> to vector<1xi32>
      %squeeze3A_659 = vector.extract %slice3A_658[0] : i32 from vector<1xi32>
      %add3A_660 = arith.constant 4 : i32
      %add3A_661 = arith.addi %squeeze3A_659, %add3A_660 : i32
      %mul3A_662 = arith.constant 64 : i32
      %mul3A_663 = arith.muli %add3A_661, %mul3A_662 : i32
      %add3A_664 = arith.constant 0 : i32
      %add3A_665 = arith.addi %mul3A_663, %add3A_664 : i32
      %get3A_666 = arith.index_cast %add3A_665 : i32 to index
      %get3A_667 = tpu.vector_load %arg5[%get3A_666] {strides = array<i32>} : memref<32768xf32, #tpu.memory_space<vmem>>, vector<16xf32>,
      %get3A_668 = vector.shape_cast %get3A_667 : vector<16xf32> to vector<16xf32>
      %add3A_669 = arith.constant 11 : i32
      %add3A_670 = arith.addi %mul3A_64, %add3A_669 : i32
      %swap3A_671 = arith.index_cast %add3A_670 : i32 to index
      %swap3A_672 = arith.constant 0 : index
      %swap3A_673 = tpu.vector_load %arg7[%swap3A_671, %swap3A_672] {strides = array<i32>} : memref<512x64xf32, #tpu.memory_space<vmem>>, vector<1x16xf32>,
      %swap3A_674 = vector.shape_cast %swap3A_673 : vector<1x16xf32> to vector<16xf32>
      %swap3A_675 = vector.shape_cast %get3A_668 : vector<16xf32> to vector<1x16xf32>
      tpu.vector_store %arg7[%swap3A_671, %swap3A_672], %swap3A_675 {strides = array<i32>} : memref<512x64xf32, #tpu.memory_space<vmem>>, vector<1x16xf32>,
      %add3A_676 = arith.constant 16 : i32
      %add3A_677 = arith.addi %mul3A_663, %add3A_676 : i32
      %get3A_678 = arith.index_cast %add3A_677 : i32 to index
      %get3A_679 = tpu.vector_load %arg5[%get3A_678] {strides = array<i32>} : memref<32768xf32, #tpu.memory_space<vmem>>, vector<16xf32>,
      %get3A_680 = vector.shape_cast %get3A_679 : vector<16xf32> to vector<16xf32>
      %add3A_681 = arith.constant 11 : i32
      %add3A_682 = arith.addi %mul3A_64, %add3A_681 : i32
      %swap3A_683 = arith.index_cast %add3A_682 : i32 to index
      %swap3A_684 = arith.constant 16 : index
      %swap3A_685 = tpu.vector_load %arg7[%swap3A_683, %swap3A_684] {strides = array<i32>} : memref<512x64xf32, #tpu.memory_space<vmem>>, vector<1x16xf32>,
      %swap3A_686 = vector.shape_cast %swap3A_685 : vector<1x16xf32> to vector<16xf32>
      %swap3A_687 = vector.shape_cast %get3A_680 : vector<16xf32> to vector<1x16xf32>
      tpu.vector_store %arg7[%swap3A_683, %swap3A_684], %swap3A_687 {strides = array<i32>} : memref<512x64xf32, #tpu.memory_space<vmem>>, vector<1x16xf32>,
      %add3A_688 = arith.constant 32 : i32
      %add3A_689 = arith.addi %mul3A_663, %add3A_688 : i32
      %get3A_690 = arith.index_cast %add3A_689 : i32 to index
      %get3A_691 = tpu.vector_load %arg5[%get3A_690] {strides = array<i32>} : memref<32768xf32, #tpu.memory_space<vmem>>, vector<16xf32>,
      %get3A_692 = vector.shape_cast %get3A_691 : vector<16xf32> to vector<16xf32>
      %add3A_693 = arith.constant 11 : i32
      %add3A_694 = arith.addi %mul3A_64, %add3A_693 : i32
      %swap3A_695 = arith.index_cast %add3A_694 : i32 to index
      %swap3A_696 = arith.constant 32 : index
      %swap3A_697 = tpu.vector_load %arg7[%swap3A_695, %swap3A_696] {strides = array<i32>} : memref<512x64xf32, #tpu.memory_space<vmem>>, vector<1x16xf32>,
      %swap3A_698 = vector.shape_cast %swap3A_697 : vector<1x16xf32> to vector<16xf32>
      %swap3A_699 = vector.shape_cast %get3A_692 : vector<16xf32> to vector<1x16xf32>
      tpu.vector_store %arg7[%swap3A_695, %swap3A_696], %swap3A_699 {strides = array<i32>} : memref<512x64xf32, #tpu.memory_space<vmem>>, vector<1x16xf32>,
      %add3A_700 = arith.constant 48 : i32
      %add3A_701 = arith.addi %mul3A_663, %add3A_700 : i32
      %get3A_702 = arith.index_cast %add3A_701 : i32 to index
      %get3A_703 = tpu.vector_load %arg5[%get3A_702] {strides = array<i32>} : memref<32768xf32, #tpu.memory_space<vmem>>, vector<16xf32>,
      %get3A_704 = vector.shape_cast %get3A_703 : vector<16xf32> to vector<16xf32>
      %add3A_705 = arith.constant 11 : i32
      %add3A_706 = arith.addi %mul3A_64, %add3A_705 : i32
      %swap3A_707 = arith.index_cast %add3A_706 : i32 to index
      %swap3A_708 = arith.constant 48 : index
      %swap3A_709 = tpu.vector_load %arg7[%swap3A_707, %swap3A_708] {strides = array<i32>} : memref<512x64xf32, #tpu.memory_space<vmem>>, vector<1x16xf32>,
      %swap3A_710 = vector.shape_cast %swap3A_709 : vector<1x16xf32> to vector<16xf32>
      %swap3A_711 = vector.shape_cast %get3A_704 : vector<16xf32> to vector<1x16xf32>
      tpu.vector_store %arg7[%swap3A_707, %swap3A_708], %swap3A_711 {strides = array<i32>} : memref<512x64xf32, #tpu.memory_space<vmem>>, vector<1x16xf32>,
      %slice3A_712 = vector.extract_strided_slice %get3A_66 {offsets = [12], sizes = [1], strides = [1]} : vector<16xi32> to vector<1xi32>
      %squeeze3A_713 = vector.extract %slice3A_712[0] : i32 from vector<1xi32>
      %add3A_714 = arith.constant 4 : i32
      %add3A_715 = arith.addi %squeeze3A_713, %add3A_714 : i32
      %mul3A_716 = arith.constant 64 : i32
      %mul3A_717 = arith.muli %add3A_715, %mul3A_716 : i32
      %add3A_718 = arith.constant 0 : i32
      %add3A_719 = arith.addi %mul3A_717, %add3A_718 : i32
      %get3A_720 = arith.index_cast %add3A_719 : i32 to index
      %get3A_721 = tpu.vector_load %arg5[%get3A_720] {strides = array<i32>} : memref<32768xf32, #tpu.memory_space<vmem>>, vector<16xf32>,
      %get3A_722 = vector.shape_cast %get3A_721 : vector<16xf32> to vector<16xf32>
      %add3A_723 = arith.constant 12 : i32
      %add3A_724 = arith.addi %mul3A_64, %add3A_723 : i32
      %swap3A_725 = arith.index_cast %add3A_724 : i32 to index
      %swap3A_726 = arith.constant 0 : index
      %swap3A_727 = tpu.vector_load %arg7[%swap3A_725, %swap3A_726] {strides = array<i32>} : memref<512x64xf32, #tpu.memory_space<vmem>>, vector<1x16xf32>,
      %swap3A_728 = vector.shape_cast %swap3A_727 : vector<1x16xf32> to vector<16xf32>
      %swap3A_729 = vector.shape_cast %get3A_722 : vector<16xf32> to vector<1x16xf32>
      tpu.vector_store %arg7[%swap3A_725, %swap3A_726], %swap3A_729 {strides = array<i32>} : memref<512x64xf32, #tpu.memory_space<vmem>>, vector<1x16xf32>,
      %add3A_730 = arith.constant 16 : i32
      %add3A_731 = arith.addi %mul3A_717, %add3A_730 : i32
      %get3A_732 = arith.index_cast %add3A_731 : i32 to index
      %get3A_733 = tpu.vector_load %arg5[%get3A_732] {strides = array<i32>} : memref<32768xf32, #tpu.memory_space<vmem>>, vector<16xf32>,
      %get3A_734 = vector.shape_cast %get3A_733 : vector<16xf32> to vector<16xf32>
      %add3A_735 = arith.constant 12 : i32
      %add3A_736 = arith.addi %mul3A_64, %add3A_735 : i32
      %swap3A_737 = arith.index_cast %add3A_736 : i32 to index
      %swap3A_738 = arith.constant 16 : index
      %swap3A_739 = tpu.vector_load %arg7[%swap3A_737, %swap3A_738] {strides = array<i32>} : memref<512x64xf32, #tpu.memory_space<vmem>>, vector<1x16xf32>,
      %swap3A_740 = vector.shape_cast %swap3A_739 : vector<1x16xf32> to vector<16xf32>
      %swap3A_741 = vector.shape_cast %get3A_734 : vector<16xf32> to vector<1x16xf32>
      tpu.vector_store %arg7[%swap3A_737, %swap3A_738], %swap3A_741 {strides = array<i32>} : memref<512x64xf32, #tpu.memory_space<vmem>>, vector<1x16xf32>,
      %add3A_742 = arith.constant 32 : i32
      %add3A_743 = arith.addi %mul3A_717, %add3A_742 : i32
      %get3A_744 = arith.index_cast %add3A_743 : i32 to index
      %get3A_745 = tpu.vector_load %arg5[%get3A_744] {strides = array<i32>} : memref<32768xf32, #tpu.memory_space<vmem>>, vector<16xf32>,
      %get3A_746 = vector.shape_cast %get3A_745 : vector<16xf32> to vector<16xf32>
      %add3A_747 = arith.constant 12 : i32
      %add3A_748 = arith.addi %mul3A_64, %add3A_747 : i32
      %swap3A_749 = arith.index_cast %add3A_748 : i32 to index
      %swap3A_750 = arith.constant 32 : index
      %swap3A_751 = tpu.vector_load %arg7[%swap3A_749, %swap3A_750] {strides = array<i32>} : memref<512x64xf32, #tpu.memory_space<vmem>>, vector<1x16xf32>,
      %swap3A_752 = vector.shape_cast %swap3A_751 : vector<1x16xf32> to vector<16xf32>
      %swap3A_753 = vector.shape_cast %get3A_746 : vector<16xf32> to vector<1x16xf32>
      tpu.vector_store %arg7[%swap3A_749, %swap3A_750], %swap3A_753 {strides = array<i32>} : memref<512x64xf32, #tpu.memory_space<vmem>>, vector<1x16xf32>,
      %add3A_754 = arith.constant 48 : i32
      %add3A_755 = arith.addi %mul3A_717, %add3A_754 : i32
      %get3A_756 = arith.index_cast %add3A_755 : i32 to index
      %get3A_757 = tpu.vector_load %arg5[%get3A_756] {strides = array<i32>} : memref<32768xf32, #tpu.memory_space<vmem>>, vector<16xf32>,
      %get3A_758 = vector.shape_cast %get3A_757 : vector<16xf32> to vector<16xf32>
      %add3A_759 = arith.constant 12 : i32
      %add3A_760 = arith.addi %mul3A_64, %add3A_759 : i32
      %swap3A_761 = arith.index_cast %add3A_760 : i32 to index
      %swap3A_762 = arith.constant 48 : index
      %swap3A_763 = tpu.vector_load %arg7[%swap3A_761, %swap3A_762] {strides = array<i32>} : memref<512x64xf32, #tpu.memory_space<vmem>>, vector<1x16xf32>,
      %swap3A_764 = vector.shape_cast %swap3A_763 : vector<1x16xf32> to vector<16xf32>
      %swap3A_765 = vector.shape_cast %get3A_758 : vector<16xf32> to vector<1x16xf32>
      tpu.vector_store %arg7[%swap3A_761, %swap3A_762], %swap3A_765 {strides = array<i32>} : memref<512x64xf32, #tpu.memory_space<vmem>>, vector<1x16xf32>,
      %slice3A_766 = vector.extract_strided_slice %get3A_66 {offsets = [13], sizes = [1], strides = [1]} : vector<16xi32> to vector<1xi32>
      %squeeze3A_767 = vector.extract %slice3A_766[0] : i32 from vector<1xi32>
      %add3A_768 = arith.constant 4 : i32
      %add3A_769 = arith.addi %squeeze3A_767, %add3A_768 : i32
      %mul3A_770 = arith.constant 64 : i32
      %mul3A_771 = arith.muli %add3A_769, %mul3A_770 : i32
      %add3A_772 = arith.constant 0 : i32
      %add3A_773 = arith.addi %mul3A_771, %add3A_772 : i32
      %get3A_774 = arith.index_cast %add3A_773 : i32 to index
      %get3A_775 = tpu.vector_load %arg5[%get3A_774] {strides = array<i32>} : memref<32768xf32, #tpu.memory_space<vmem>>, vector<16xf32>,
      %get3A_776 = vector.shape_cast %get3A_775 : vector<16xf32> to vector<16xf32>
      %add3A_777 = arith.constant 13 : i32
      %add3A_778 = arith.addi %mul3A_64, %add3A_777 : i32
      %swap3A_779 = arith.index_cast %add3A_778 : i32 to index
      %swap3A_780 = arith.constant 0 : index
      %swap3A_781 = tpu.vector_load %arg7[%swap3A_779, %swap3A_780] {strides = array<i32>} : memref<512x64xf32, #tpu.memory_space<vmem>>, vector<1x16xf32>,
      %swap3A_782 = vector.shape_cast %swap3A_781 : vector<1x16xf32> to vector<16xf32>
      %swap3A_783 = vector.shape_cast %get3A_776 : vector<16xf32> to vector<1x16xf32>
      tpu.vector_store %arg7[%swap3A_779, %swap3A_780], %swap3A_783 {strides = array<i32>} : memref<512x64xf32, #tpu.memory_space<vmem>>, vector<1x16xf32>,
      %add3A_784 = arith.constant 16 : i32
      %add3A_785 = arith.addi %mul3A_771, %add3A_784 : i32
      %get3A_786 = arith.index_cast %add3A_785 : i32 to index
      %get3A_787 = tpu.vector_load %arg5[%get3A_786] {strides = array<i32>} : memref<32768xf32, #tpu.memory_space<vmem>>, vector<16xf32>,
      %get3A_788 = vector.shape_cast %get3A_787 : vector<16xf32> to vector<16xf32>
      %add3A_789 = arith.constant 13 : i32
      %add3A_790 = arith.addi %mul3A_64, %add3A_789 : i32
      %swap3A_791 = arith.index_cast %add3A_790 : i32 to index
      %swap3A_792 = arith.constant 16 : index
      %swap3A_793 = tpu.vector_load %arg7[%swap3A_791, %swap3A_792] {strides = array<i32>} : memref<512x64xf32, #tpu.memory_space<vmem>>, vector<1x16xf32>,
      %swap3A_794 = vector.shape_cast %swap3A_793 : vector<1x16xf32> to vector<16xf32>
      %swap3A_795 = vector.shape_cast %get3A_788 : vector<16xf32> to vector<1x16xf32>
      tpu.vector_store %arg7[%swap3A_791, %swap3A_792], %swap3A_795 {strides = array<i32>} : memref<512x64xf32, #tpu.memory_space<vmem>>, vector<1x16xf32>,
      %add3A_796 = arith.constant 32 : i32
      %add3A_797 = arith.addi %mul3A_771, %add3A_796 : i32
      %get3A_798 = arith.index_cast %add3A_797 : i32 to index
      %get3A_799 = tpu.vector_load %arg5[%get3A_798] {strides = array<i32>} : memref<32768xf32, #tpu.memory_space<vmem>>, vector<16xf32>,
      %get3A_800 = vector.shape_cast %get3A_799 : vector<16xf32> to vector<16xf32>
      %add3A_801 = arith.constant 13 : i32
      %add3A_802 = arith.addi %mul3A_64, %add3A_801 : i32
      %swap3A_803 = arith.index_cast %add3A_802 : i32 to index
      %swap3A_804 = arith.constant 32 : index
      %swap3A_805 = tpu.vector_load %arg7[%swap3A_803, %swap3A_804] {strides = array<i32>} : memref<512x64xf32, #tpu.memory_space<vmem>>, vector<1x16xf32>,
      %swap3A_806 = vector.shape_cast %swap3A_805 : vector<1x16xf32> to vector<16xf32>
      %swap3A_807 = vector.shape_cast %get3A_800 : vector<16xf32> to vector<1x16xf32>
      tpu.vector_store %arg7[%swap3A_803, %swap3A_804], %swap3A_807 {strides = array<i32>} : memref<512x64xf32, #tpu.memory_space<vmem>>, vector<1x16xf32>,
      %add3A_808 = arith.constant 48 : i32
      %add3A_809 = arith.addi %mul3A_771, %add3A_808 : i32
      %get3A_810 = arith.index_cast %add3A_809 : i32 to index
      %get3A_811 = tpu.vector_load %arg5[%get3A_810] {strides = array<i32>} : memref<32768xf32, #tpu.memory_space<vmem>>, vector<16xf32>,
      %get3A_812 = vector.shape_cast %get3A_811 : vector<16xf32> to vector<16xf32>
      %add3A_813 = arith.constant 13 : i32
      %add3A_814 = arith.addi %mul3A_64, %add3A_813 : i32
      %swap3A_815 = arith.index_cast %add3A_814 : i32 to index
      %swap3A_816 = arith.constant 48 : index
      %swap3A_817 = tpu.vector_load %arg7[%swap3A_815, %swap3A_816] {strides = array<i32>} : memref<512x64xf32, #tpu.memory_space<vmem>>, vector<1x16xf32>,
      %swap3A_818 = vector.shape_cast %swap3A_817 : vector<1x16xf32> to vector<16xf32>
      %swap3A_819 = vector.shape_cast %get3A_812 : vector<16xf32> to vector<1x16xf32>
      tpu.vector_store %arg7[%swap3A_815, %swap3A_816], %swap3A_819 {strides = array<i32>} : memref<512x64xf32, #tpu.memory_space<vmem>>, vector<1x16xf32>,
      %slice3A_820 = vector.extract_strided_slice %get3A_66 {offsets = [14], sizes = [1], strides = [1]} : vector<16xi32> to vector<1xi32>
      %squeeze3A_821 = vector.extract %slice3A_820[0] : i32 from vector<1xi32>
      %add3A_822 = arith.constant 4 : i32
      %add3A_823 = arith.addi %squeeze3A_821, %add3A_822 : i32
      %mul3A_824 = arith.constant 64 : i32
      %mul3A_825 = arith.muli %add3A_823, %mul3A_824 : i32
      %add3A_826 = arith.constant 0 : i32
      %add3A_827 = arith.addi %mul3A_825, %add3A_826 : i32
      %get3A_828 = arith.index_cast %add3A_827 : i32 to index
      %get3A_829 = tpu.vector_load %arg5[%get3A_828] {strides = array<i32>} : memref<32768xf32, #tpu.memory_space<vmem>>, vector<16xf32>,
      %get3A_830 = vector.shape_cast %get3A_829 : vector<16xf32> to vector<16xf32>
      %add3A_831 = arith.constant 14 : i32
      %add3A_832 = arith.addi %mul3A_64, %add3A_831 : i32
      %swap3A_833 = arith.index_cast %add3A_832 : i32 to index
      %swap3A_834 = arith.constant 0 : index
      %swap3A_835 = tpu.vector_load %arg7[%swap3A_833, %swap3A_834] {strides = array<i32>} : memref<512x64xf32, #tpu.memory_space<vmem>>, vector<1x16xf32>,
      %swap3A_836 = vector.shape_cast %swap3A_835 : vector<1x16xf32> to vector<16xf32>
      %swap3A_837 = vector.shape_cast %get3A_830 : vector<16xf32> to vector<1x16xf32>
      tpu.vector_store %arg7[%swap3A_833, %swap3A_834], %swap3A_837 {strides = array<i32>} : memref<512x64xf32, #tpu.memory_space<vmem>>, vector<1x16xf32>,
      %add3A_838 = arith.constant 16 : i32
      %add3A_839 = arith.addi %mul3A_825, %add3A_838 : i32
      %get3A_840 = arith.index_cast %add3A_839 : i32 to index
      %get3A_841 = tpu.vector_load %arg5[%get3A_840] {strides = array<i32>} : memref<32768xf32, #tpu.memory_space<vmem>>, vector<16xf32>,
      %get3A_842 = vector.shape_cast %get3A_841 : vector<16xf32> to vector<16xf32>
      %add3A_843 = arith.constant 14 : i32
      %add3A_844 = arith.addi %mul3A_64, %add3A_843 : i32
      %swap3A_845 = arith.index_cast %add3A_844 : i32 to index
      %swap3A_846 = arith.constant 16 : index
      %swap3A_847 = tpu.vector_load %arg7[%swap3A_845, %swap3A_846] {strides = array<i32>} : memref<512x64xf32, #tpu.memory_space<vmem>>, vector<1x16xf32>,
      %swap3A_848 = vector.shape_cast %swap3A_847 : vector<1x16xf32> to vector<16xf32>
      %swap3A_849 = vector.shape_cast %get3A_842 : vector<16xf32> to vector<1x16xf32>
      tpu.vector_store %arg7[%swap3A_845, %swap3A_846], %swap3A_849 {strides = array<i32>} : memref<512x64xf32, #tpu.memory_space<vmem>>, vector<1x16xf32>,
      %add3A_850 = arith.constant 32 : i32
      %add3A_851 = arith.addi %mul3A_825, %add3A_850 : i32
      %get3A_852 = arith.index_cast %add3A_851 : i32 to index
      %get3A_853 = tpu.vector_load %arg5[%get3A_852] {strides = array<i32>} : memref<32768xf32, #tpu.memory_space<vmem>>, vector<16xf32>,
      %get3A_854 = vector.shape_cast %get3A_853 : vector<16xf32> to vector<16xf32>
      %add3A_855 = arith.constant 14 : i32
      %add3A_856 = arith.addi %mul3A_64, %add3A_855 : i32
      %swap3A_857 = arith.index_cast %add3A_856 : i32 to index
      %swap3A_858 = arith.constant 32 : index
      %swap3A_859 = tpu.vector_load %arg7[%swap3A_857, %swap3A_858] {strides = array<i32>} : memref<512x64xf32, #tpu.memory_space<vmem>>, vector<1x16xf32>,
      %swap3A_860 = vector.shape_cast %swap3A_859 : vector<1x16xf32> to vector<16xf32>
      %swap3A_861 = vector.shape_cast %get3A_854 : vector<16xf32> to vector<1x16xf32>
      tpu.vector_store %arg7[%swap3A_857, %swap3A_858], %swap3A_861 {strides = array<i32>} : memref<512x64xf32, #tpu.memory_space<vmem>>, vector<1x16xf32>,
      %add3A_862 = arith.constant 48 : i32
      %add3A_863 = arith.addi %mul3A_825, %add3A_862 : i32
      %get3A_864 = arith.index_cast %add3A_863 : i32 to index
      %get3A_865 = tpu.vector_load %arg5[%get3A_864] {strides = array<i32>} : memref<32768xf32, #tpu.memory_space<vmem>>, vector<16xf32>,
      %get3A_866 = vector.shape_cast %get3A_865 : vector<16xf32> to vector<16xf32>
      %add3A_867 = arith.constant 14 : i32
      %add3A_868 = arith.addi %mul3A_64, %add3A_867 : i32
      %swap3A_869 = arith.index_cast %add3A_868 : i32 to index
      %swap3A_870 = arith.constant 48 : index
      %swap3A_871 = tpu.vector_load %arg7[%swap3A_869, %swap3A_870] {strides = array<i32>} : memref<512x64xf32, #tpu.memory_space<vmem>>, vector<1x16xf32>,
      %swap3A_872 = vector.shape_cast %swap3A_871 : vector<1x16xf32> to vector<16xf32>
      %swap3A_873 = vector.shape_cast %get3A_866 : vector<16xf32> to vector<1x16xf32>
      tpu.vector_store %arg7[%swap3A_869, %swap3A_870], %swap3A_873 {strides = array<i32>} : memref<512x64xf32, #tpu.memory_space<vmem>>, vector<1x16xf32>,
      %slice3A_874 = vector.extract_strided_slice %get3A_66 {offsets = [15], sizes = [1], strides = [1]} : vector<16xi32> to vector<1xi32>
      %squeeze3A_875 = vector.extract %slice3A_874[0] : i32 from vector<1xi32>
      %add3A_876 = arith.constant 4 : i32
      %add3A_877 = arith.addi %squeeze3A_875, %add3A_876 : i32
      %mul3A_878 = arith.constant 64 : i32
      %mul3A_879 = arith.muli %add3A_877, %mul3A_878 : i32
      %add3A_880 = arith.constant 0 : i32
      %add3A_881 = arith.addi %mul3A_879, %add3A_880 : i32
      %get3A_882 = arith.index_cast %add3A_881 : i32 to index
      %get3A_883 = tpu.vector_load %arg5[%get3A_882] {strides = array<i32>} : memref<32768xf32, #tpu.memory_space<vmem>>, vector<16xf32>,
      %get3A_884 = vector.shape_cast %get3A_883 : vector<16xf32> to vector<16xf32>
      %add3A_885 = arith.constant 15 : i32
      %add3A_886 = arith.addi %mul3A_64, %add3A_885 : i32
      %swap3A_887 = arith.index_cast %add3A_886 : i32 to index
      %swap3A_888 = arith.constant 0 : index
      %swap3A_889 = tpu.vector_load %arg7[%swap3A_887, %swap3A_888] {strides = array<i32>} : memref<512x64xf32, #tpu.memory_space<vmem>>, vector<1x16xf32>,
      %swap3A_890 = vector.shape_cast %swap3A_889 : vector<1x16xf32> to vector<16xf32>
      %swap3A_891 = vector.shape_cast %get3A_884 : vector<16xf32> to vector<1x16xf32>
      tpu.vector_store %arg7[%swap3A_887, %swap3A_888], %swap3A_891 {strides = array<i32>} : memref<512x64xf32, #tpu.memory_space<vmem>>, vector<1x16xf32>,
      %add3A_892 = arith.constant 16 : i32
      %add3A_893 = arith.addi %mul3A_879, %add3A_892 : i32
      %get3A_894 = arith.index_cast %add3A_893 : i32 to index
      %get3A_895 = tpu.vector_load %arg5[%get3A_894] {strides = array<i32>} : memref<32768xf32, #tpu.memory_space<vmem>>, vector<16xf32>,
      %get3A_896 = vector.shape_cast %get3A_895 : vector<16xf32> to vector<16xf32>
      %add3A_897 = arith.constant 15 : i32
      %add3A_898 = arith.addi %mul3A_64, %add3A_897 : i32
      %swap3A_899 = arith.index_cast %add3A_898 : i32 to index
      %swap3A_900 = arith.constant 16 : index
      %swap3A_901 = tpu.vector_load %arg7[%swap3A_899, %swap3A_900] {strides = array<i32>} : memref<512x64xf32, #tpu.memory_space<vmem>>, vector<1x16xf32>,
      %swap3A_902 = vector.shape_cast %swap3A_901 : vector<1x16xf32> to vector<16xf32>
      %swap3A_903 = vector.shape_cast %get3A_896 : vector<16xf32> to vector<1x16xf32>
      tpu.vector_store %arg7[%swap3A_899, %swap3A_900], %swap3A_903 {strides = array<i32>} : memref<512x64xf32, #tpu.memory_space<vmem>>, vector<1x16xf32>,
      %add3A_904 = arith.constant 32 : i32
      %add3A_905 = arith.addi %mul3A_879, %add3A_904 : i32
      %get3A_906 = arith.index_cast %add3A_905 : i32 to index
      %get3A_907 = tpu.vector_load %arg5[%get3A_906] {strides = array<i32>} : memref<32768xf32, #tpu.memory_space<vmem>>, vector<16xf32>,
      %get3A_908 = vector.shape_cast %get3A_907 : vector<16xf32> to vector<16xf32>
      %add3A_909 = arith.constant 15 : i32
      %add3A_910 = arith.addi %mul3A_64, %add3A_909 : i32
      %swap3A_911 = arith.index_cast %add3A_910 : i32 to index
      %swap3A_912 = arith.constant 32 : index
      %swap3A_913 = tpu.vector_load %arg7[%swap3A_911, %swap3A_912] {strides = array<i32>} : memref<512x64xf32, #tpu.memory_space<vmem>>, vector<1x16xf32>,
      %swap3A_914 = vector.shape_cast %swap3A_913 : vector<1x16xf32> to vector<16xf32>
      %swap3A_915 = vector.shape_cast %get3A_908 : vector<16xf32> to vector<1x16xf32>
      tpu.vector_store %arg7[%swap3A_911, %swap3A_912], %swap3A_915 {strides = array<i32>} : memref<512x64xf32, #tpu.memory_space<vmem>>, vector<1x16xf32>,
      %add3A_916 = arith.constant 48 : i32
      %add3A_917 = arith.addi %mul3A_879, %add3A_916 : i32
      %get3A_918 = arith.index_cast %add3A_917 : i32 to index
      %get3A_919 = tpu.vector_load %arg5[%get3A_918] {strides = array<i32>} : memref<32768xf32, #tpu.memory_space<vmem>>, vector<16xf32>,
      %get3A_920 = vector.shape_cast %get3A_919 : vector<16xf32> to vector<16xf32>
      %add3A_921 = arith.constant 15 : i32
      %add3A_922 = arith.addi %mul3A_64, %add3A_921 : i32
      %swap3A_923 = arith.index_cast %add3A_922 : i32 to index
      %swap3A_924 = arith.constant 48 : index
      %swap3A_925 = tpu.vector_load %arg7[%swap3A_923, %swap3A_924] {strides = array<i32>} : memref<512x64xf32, #tpu.memory_space<vmem>>, vector<1x16xf32>,
      %swap3A_926 = vector.shape_cast %swap3A_925 : vector<1x16xf32> to vector<16xf32>
      %swap3A_927 = vector.shape_cast %get3A_920 : vector<16xf32> to vector<1x16xf32>
      tpu.vector_store %arg7[%swap3A_923, %swap3A_924], %swap3A_927 {strides = array<i32>} : memref<512x64xf32, #tpu.memory_space<vmem>>, vector<1x16xf32>,
    }
    %scan3A_26 = arith.constant 16 : i32
    %mul3A_27 = arith.constant 512 : i32
    %mul3A_28 = arith.muli %add3A, %mul3A_27 : i32
    %add3A_29 = arith.constant 256 : i32
    %add3A_30 = arith.addi %mul3A_28, %add3A_29 : i32
    %dma_start3A_31 = arith.constant 256 : i32
    %dma_start3A_32 = arith.constant 0 : i32
    %dma_start3A_33 = tpu.memref_slice %arg7[%dma_start3A_31, %dma_start3A_32] : memref<512x64xf32, #tpu.memory_space<vmem>> -> memref<256x64xf32, #tpu.memory_space<vmem>>
    %dma_start3A_34 = arith.constant 0 : i32
    %dma_start3A_35 = tpu.memref_slice %arg4[%add3A_30, %dma_start3A_34] : memref<16384x64xf32, #tpu.memory_space<hbm>> -> memref<256x64xf32, #tpu.memory_space<hbm>>
    %dma_start3A_36 = arith.constant 0 : i32
    %dma_start3A_37 = tpu.memref_slice %arg4[%add3A_30, %dma_start3A_36] : memref<16384x64xf32, #tpu.memory_space<hbm>> -> memref<256x64xf32, #tpu.memory_space<hbm>>
    %dma_start3A_38 = arith.constant 256 : i32
    %dma_start3A_39 = arith.constant 0 : i32
    %dma_start3A_40 = tpu.memref_slice %arg7[%dma_start3A_38, %dma_start3A_39] : memref<512x64xf32, #tpu.memory_space<vmem>> -> memref<256x64xf32, #tpu.memory_space<vmem>>
    tpu.enqueue_dma source(%dma_start3A_40 : memref<256x64xf32, #tpu.memory_space<vmem>>) target(%dma_start3A_37 : memref<256x64xf32, #tpu.memory_space<hbm>>) target_semaphore(%arg9 : memref<!tpu.dma_semaphore, #tpu.memory_space<semaphore_mem>>)
    %dma_wait3A = arith.constant 0 : i32
    %dma_wait3A_41 = arith.constant 0 : i32
    %dma_wait3A_42 = tpu.memref_slice %arg7[%dma_wait3A, %dma_wait3A_41] : memref<512x64xf32, #tpu.memory_space<vmem>> -> memref<256x64xf32, #tpu.memory_space<vmem>>
    %dma_wait3A_43 = arith.constant 0 : i32
    %dma_wait3A_44 = tpu.memref_slice %arg4[%add3A_11, %dma_wait3A_43] : memref<16384x64xf32, #tpu.memory_space<hbm>> -> memref<256x64xf32, #tpu.memory_space<hbm>>
    %dma_wait3A_45 = arith.constant 0 : i32
    %dma_wait3A_46 = tpu.memref_slice %arg4[%add3A_11, %dma_wait3A_45] : memref<16384x64xf32, #tpu.memory_space<hbm>> -> memref<256x64xf32, #tpu.memory_space<hbm>>
    %dma_wait3A_47 = arith.constant 0 : i32
    %dma_wait3A_48 = arith.constant 0 : i32
    %dma_wait3A_49 = tpu.memref_slice %arg7[%dma_wait3A_47, %dma_wait3A_48] : memref<512x64xf32, #tpu.memory_space<vmem>> -> memref<256x64xf32, #tpu.memory_space<vmem>>
    tpu.wait_dma2 semaphore(%arg9 : memref<!tpu.dma_semaphore, #tpu.memory_space<semaphore_mem>>) src(%dma_wait3A_49 : memref<256x64xf32, #tpu.memory_space<vmem>>) dst(%dma_wait3A_46 : memref<256x64xf32, #tpu.memory_space<hbm>>)
    %dma_wait3A_50 = arith.constant 256 : i32
    %dma_wait3A_51 = arith.constant 0 : i32
    %dma_wait3A_52 = tpu.memref_slice %arg7[%dma_wait3A_50, %dma_wait3A_51] : memref<512x64xf32, #tpu.memory_space<vmem>> -> memref<256x64xf32, #tpu.memory_space<vmem>>
    %dma_wait3A_53 = arith.constant 0 : i32
    %dma_wait3A_54 = tpu.memref_slice %arg4[%add3A_30, %dma_wait3A_53] : memref<16384x64xf32, #tpu.memory_space<hbm>> -> memref<256x64xf32, #tpu.memory_space<hbm>>
    %dma_wait3A_55 = arith.constant 0 : i32
    %dma_wait3A_56 = tpu.memref_slice %arg4[%add3A_30, %dma_wait3A_55] : memref<16384x64xf32, #tpu.memory_space<hbm>> -> memref<256x64xf32, #tpu.memory_space<hbm>>
    %dma_wait3A_57 = arith.constant 256 : i32
    %dma_wait3A_58 = arith.constant 0 : i32
    %dma_wait3A_59 = tpu.memref_slice %arg7[%dma_wait3A_57, %dma_wait3A_58] : memref<512x64xf32, #tpu.memory_space<vmem>> -> memref<256x64xf32, #tpu.memory_space<vmem>>
    tpu.wait_dma2 semaphore(%arg9 : memref<!tpu.dma_semaphore, #tpu.memory_space<semaphore_mem>>) src(%dma_wait3A_59 : memref<256x64xf32, #tpu.memory_space<vmem>>) dst(%dma_wait3A_56 : memref<256x64xf32, #tpu.memory_space<hbm>>)
    return
  }
}

</mosaic_0001>

<sc_bundles>
// kernel: kernel.3.cloned.1.call-start
scs
__scs_entry_jumppad:
0x0: {  	(pc) =	sbr.rel $0x88, $3  }
0x1: {  	(tag) =	ssettag $0x0;
	lr =	simm.s32 $0x1  }
0x2: {  	[smem:$0x3F9F] =	sst lr;
	_ =	strace $0xD0000000  }
0x3: {  	_ = 	snop  }
0x4: {  	_ = 	snop  }
0x5: {  	_ = 	snop  }
0x6: {  	_ = 	snop  }
0x7: {  	_ = 	snop  }
__scs_overlays_trampoline_lowered:
0x8: {  	[smem:$0x3FAE] =	sst s0  }
0x9: {  	[smem:$0x3FAF] =	sst s1  }
0xa: {  	[smem:$0x3FB0] =	sst s2  }
0xb: {  	[smem:$0x3FB1] =	sst s3  }
0xc: {  	[smem:$0x3FB2] =	sst s4  }
0xd: {  	[smem:$0x3FB3] =	sst s5  }
0xe: {  	[smem:$0x3FB4] =	sst s6  }
0xf: {  	[smem:$0x3FB5] =	sst s7  }
0x10: {  	[smem:$0x3FB6] =	sst s8  }
0x11: {  	[smem:$0x3FB7] =	sst s9;
	s0 =	simm.s32 @!p0 $0x0  }
0x12: {  	s1 =	sld [smem:$0x3F9D];
	s0 =	simm.s32 @p0 $0x1  }
0x13: {  	[smem:$0x3FB8] =	sst s0;
	s0 =	simm.s32 @!p1 $0x0  }
0x14: {  	s2 =	sld [smem:$0x3F9C];
	s0 =	simm.s32 @p1 $0x1  }
0x15: {  	[smem:$0x3FB9] =	sst s0;
	s0 =	simm.s32 @!p2 $0x0  }
0x16: {  	s3 =	sld [smem:$0x3FDB];
	s0 =	simm.s32 @p2 $0x1  }
0x17: {  	s4 =	simm.s32 $0x1BF5;
	[smem:$0x3FBB] =	sst s0  }
0x18: {  	s0 =	sld [smem:$0x3F9E];
	_ =	swait.ge [sflag:s4], $0x0  }
0x19: {  	s7 =	sld [smem:$0x3F9F]  }
0x1a: {  	s8 =	sadd.s32 $0xFFFFE003, lr  }
0x1b: {  	s9 =	sadd.s32 $0xFFFFFEF7, lr;
	s5 =	simm.s32 $0xFFFFFFFF;
	p2 =	slt.u32 s8, $0xFFFFF086  }
0x1c: {  	p1 =	slt.u32 s9, $0xF7A;
	s5 =	simm.s32 @!p2 $0x0  }
0x1d: {  	s5 =	simm.s32 @p1 $0x1;
	p0 =	seq.s32 s7, s2  }
0x1e: {  	s7 =	smul.u32 @!p0 $0xF7A, s2;
	p2 =	seq.s32 @!p0 s5, $0x0  }
0x1f: {  	s9 =	smul.u32 $0xF7A, s1;
	s8 =	simm.s32 @!p0 $0x1BF5;
	p2 =	por !p2, p0  }
0x20: {  	[sflag:s8] =	ssyncset.s32 @!p0 $0xFFFFF086;
	s6 =	sadd.s32 @!p0 s3, s7;
	s7 =	simm.s32 @!p0 $0x108  }
0x21: {  	s3 =	sadd.s32 s3, s9;
	s6 =	sadd.s32 @!p0 $0x88, s6;
	s7 =	simm.s32 @p2 $0x1082  }
0x22: {  	[simem:s7], [sflag:s8] =	dma.local @!p0 [hbm:s6], $0xF7A  }
0x23: {  	s9 =	sor.u32 $0xD0000000, s2;
	s6 =	simm.s32 $0x108;
	_ =	swait.ge @!p0 [sflag:s8], $0x0  }
0x24: {  	s3 =	sadd.s32 $0x88, s3;
	s6 =	simm.s32 @!p1 $0x1082;
	[sflag:s4] =	ssyncset.s32 $0xFFFFF086  }
0x25: {  	[simem:s6], [sflag:s4] =	dma.local [hbm:s3], $0xF7A  }
0x26: {  	[smem:$0x3F9F] =	sst s1;
	(tag) =	ssettag s2;
	_ =	strace s9  }
0x27: {  	s1 =	sld [smem:$0x3FAF]  }
0x28: {  	s2 =	sld [smem:$0x3FB0]  }
0x29: {  	s4 =	sld [smem:$0x3FB2]  }
0x2a: {  	p0 =	seq.s32 s5, $0x0;
	s5 =	sld [smem:$0x3FB3]  }
0x2b: {  	s6 =	sld [smem:$0x3FB4]  }
0x2c: {  	s7 =	sld [smem:$0x3FB5]  }
0x2d: {  	s3 =	simm.s32 $0x108;
	s8 =	sld [smem:$0x3FB6]  }
0x2e: {  	s3 =	simm.s32 @!p0 $0x1082;
	s9 =	sld [smem:$0x3FB7]  }
0x2f: {  	lr =	sadd.s32 s0, s3;
	s0 =	sld [smem:$0x3FAE]  }
0x30: {  	s3 =	sld [smem:$0x3FB1]  }
0x31: {  	[smem:$0x3FBA] =	sst s10  }
0x32: {  	s10 =	sld [smem:$0x3FB8];
	_ =	sdelay $0x3  }
0x33: {  	p0 =	seq.s32 s10, $0x1;
	s10 =	sld [smem:$0x3FBA];
	_ =	sdelay $0x3  }
0x34: {  	[smem:$0x3FBA] =	sst s10  }
0x35: {  	s10 =	sld [smem:$0x3FB9];
	_ =	sdelay $0x3  }
0x36: {  	p1 =	seq.s32 s10, $0x1;
	s10 =	sld [smem:$0x3FBA];
	_ =	sdelay $0x3  }
0x37: {  	[smem:$0x3FBA] =	sst s10  }
0x38: {  	s10 =	sld [smem:$0x3FBB]  }
0x39: {  	_ = 	snop;
	(pc) =	sbr.ind lr, $3  }
0x3a: {  	_ = 	snop  }
0x3b: {  	_ = 	snop  }
0x3c: {  	p2 =	seq.s32 s10, $0x1;
	s10 =	sld [smem:$0x3FBA]  }
0x3d: {  	_ =	shalt  }
0x3e: {  	_ =	shalt  }
0x3f: {  	_ =	shalt  }
0x40: {  	_ =	shalt  }
0x41: {  	_ =	shalt  }
0x42: {  	_ =	shalt  }
0x43: {  	_ =	shalt  }
0x44: {  	_ =	shalt  }
0x45: {  	_ =	shalt  }
0x46: {  	_ =	shalt  }
0x47: {  	_ =	shalt  }
0x48: {  	_ =	shalt  }
0x49: {  	_ =	shalt  }
0x4a: {  	_ =	shalt  }
0x4b: {  	_ =	shalt  }
0x4c: {  	_ =	shalt  }
0x4d: {  	_ =	shalt  }
0x4e: {  	_ =	shalt  }
0x4f: {  	_ =	shalt  }
0x50: {  	_ =	shalt  }
0x51: {  	_ =	shalt  }
0x52: {  	_ =	shalt  }
0x53: {  	_ =	shalt  }
0x54: {  	_ =	shalt  }
0x55: {  	_ =	shalt  }
0x56: {  	_ =	shalt  }
0x57: {  	_ =	shalt  }
0x58: {  	_ =	shalt  }
0x59: {  	_ =	shalt  }
0x5a: {  	_ =	shalt  }
0x5b: {  	_ =	shalt  }
0x5c: {  	_ =	shalt  }
0x5d: {  	_ =	shalt  }
0x5e: {  	_ =	shalt  }
0x5f: {  	_ =	shalt  }
0x60: {  	_ =	shalt  }
0x61: {  	_ =	shalt  }
0x62: {  	_ =	shalt  }
0x63: {  	_ =	shalt  }
0x64: {  	_ =	shalt  }
0x65: {  	_ =	shalt  }
0x66: {  	_ =	shalt  }
0x67: {  	_ =	shalt  }
0x68: {  	_ =	shalt  }
0x69: {  	_ =	shalt  }
0x6a: {  	_ =	shalt  }
0x6b: {  	_ =	shalt  }
0x6c: {  	_ =	shalt  }
0x6d: {  	_ =	shalt  }
0x6e: {  	_ =	shalt  }
0x6f: {  	_ =	shalt  }
0x70: {  	_ =	shalt  }
0x71: {  	_ =	shalt  }
0x72: {  	_ =	shalt  }
0x73: {  	_ =	shalt  }
0x74: {  	_ =	shalt  }
0x75: {  	_ =	shalt  }
0x76: {  	_ =	shalt  }
0x77: {  	_ =	shalt  }
0x78: {  	_ =	shalt  }
0x79: {  	_ =	shalt  }
0x7a: {  	_ =	shalt  }
0x7b: {  	_ =	shalt  }
0x7c: {  	_ =	shalt  }
0x7d: {  	_ =	shalt  }
0x7e: {  	_ =	shalt  }
0x7f: {  	_ =	shalt  }
0x80: {  	_ =	shalt  }
0x81: {  	_ =	shalt  }
0x82: {  	_ =	shalt  }
0x83: {  	_ =	shalt  }
0x84: {  	_ =	shalt  }
0x85: {  	_ =	shalt  }
0x86: {  	_ =	shalt  }
0x87: {  	_ =	shalt  }
.Lfunc_end0:
.L_simem_size_0:
called_computation_lowered:
.L_overlay_start_0:
0x88: {  	s2 =	sld [smem:$0x3FD9]  }
0x89: {  	s3 =	sld [smem:$0x3FFE];
	_ =	sdelay $0x1  }
0x8a: {  	s1 =	srdreg.scid  }
0x8b: {  	s0 =	sand.u32 $0x1, s1  }
0x8c: {  	s17 =	sshll.u32 s0, $0xA;
	s2 =	sadd.s32 s3, s2  }
0x8d: {  	s2 =	sadd.s32 s2, s17  }
0x8e: {  	[smem:$0x3FC6] =	sst s2  }
0x8f: {  	_ = 	snop  }
0x90: {  	s2 =	sld [smem:$0x3FC8]  }
0x91: {  	s18 =	sld [smem:$0x3FD0];
	(tm) =	ssettm $0x1  }
0x92: {  	s4 =	sld [smem:$0x3FFB];
	_ =	sdelay $0x3  }
0x93: {  	_ =	strace s4  }
0x94: {  	s4 =	sld [smem:$0x3FFC];
	_ =	sdelay $0x3  }
0x95: {  	_ =	strace s4  }
0x96: {  	s4 =	sld [smem:$0x3FFD];
	_ =	sdelay $0x3  }
0x97: {  	_ =	strace s4  }
0x98: {  	_ =	strace $0x8FFFFFFF  }
0x99: {  	s19 =	sld [smem:$0x3FDB];
	_ =	sdelay $0x1  }
0x9a: {  	s5 =	simm.s32 $_scs_section_size  }
0x9b: {  	s6 =	simm.s32 $_size__tile_overlayer_lowered;
	s7 =	simm.s32 $_tile_overlayer_lowered  }
0x9c: {  	s22 =	simm.s32 $0x1BFF;
	s21 =	sshll.u32 s7, $0x1;
	s4 =	sadd.s32 s5, s19  }
0x9d: {  	s8 =	simm.s32 $0x0;
	s20 =	sshll.u32 s6, $0x1;
	s6 =	sadd.s32 s21, s4  }
0x9e: {  	[timem:s8], [sflag:s22] =	dma.local [hbm:s6], s20  }
0x9f: {  	_ =	swait.ge [sflag:s22], s20  }
0xa0: {  	s5 =	ssub.s32 $0x0, s20;
	[sflag:s22] =	ssyncset.done $0x0  }
0xa1: {  	[sflag:s22] =	ssyncadd.s32 s5;
	_ =	sdelay $0x1  }
0xa2: {  	s23 =	simm.s32 $0x1B8B  }
0xa3: {  	_ =	swait.ge [sflag:s23], $0x1  }
0xa4: {  	[sflag:s23] =	ssyncset.done $0x0  }
0xa5: {  	s25 =	simm.s32 $0x1B8E;
	s24 =	sld [smem:$0x3FFE];
	[sflag:s23] =	ssyncadd.s32 $0xFFFFFFFF  }
0xa6: {  	s26 =	simm.s32 $execute0_lowered;
	[smem:$0x3FD2] =	sst s25  }
0xa7: {  	s6 =	sshll.u32 s26, $0x1;
	_ =	strace $0x80000046;
	[dreg:$0x1] =	wrdreg $0xFFFFFFFF  }
0xa8: {  	s28 =	simm.s32 $_size_execute0_lowered;
	s4 =	sadd.s32 s4, s6;
	[dreg:$0x0] =	wrdreg $0x0  }
0xa9: {  	s6 =	sshll.u32 s28, $0x1;
	[dreg:$0x2] =	wrdreg s4  }
0xaa: {  	[dreg:$0x3] =	wrdreg s6  }
0xab: {  	[dreg:$0x4] =	wrdreg $0xC0  }
0xac: {  	_ =	task [dreg:s8], $0x5FFFF  }
0xad: {  	[dreg:$0x1] =	wrdreg $0xFFFFFFFF  }
0xae: {  	[dreg:$0x0] =	wrdreg $0x60  }
0xaf: {  	[dreg:$0x2] =	wrdreg s18  }
0xb0: {  	[dreg:$0x3] =	wrdreg s2  }
0xb1: {  	[dreg:$0x4] =	wrdreg s24  }
0xb2: {  	[dreg:$0x5] =	wrdreg $0x9  }
0xb3: {  	_ =	task.clear_ibuf [dreg:s8], $0x6FFFF;
	_ =	strace $0x90000046  }
0xb4: {  	s29 =	simm.s32 $0x9;
	_ =	strace $0x80000048  }
0xb5: {  	_ =	swait.ge [sflag:s29], $0x1  }
0xb6: {  	[sflag:s29] =	ssyncadd.s32 $0xFFFFFFFF  }
0xb7: {  	_ =	strace $0x90000048  }
0xb8: {  	_ =	sfence  }
0xb9: {  	s30 =	sld [smem:$0x0];
	_ =	sdelay $0x2  }
0xba: {  	s31 =	sshll.u32 s1, $0xD;
	s1 =	sshrl.u32 s1, $0x2  }
0xbb: {  	s3 =	sand.u32 $0x4000, s31;
	s1 =	sadd.s32 s1, s30  }
0xbc: {  	s0 =	sor.u32 s3, s0;
	s1 =	sshll.u32 s1, $0x11  }
0xbd: {  	s0 =	sor.u32 s1, s0  }
0xbe: {  	s0 =	sadd.s32 $0x8F2B, s0  }
0xbf: {  	[sflag:s0] =	ssyncadd.remote.s32 $0x1  }
0xc0: {  	_ =	sfence.sel $0xFFFF  }
0xc1: {  	[dreg:$0x0] =	wrdreg $0xFFFFFFFF;
	(pc) =	sbr.abs _section_cstart, $3  }
0xc2: {  	[dreg:$0x1] =	wrdreg $0xFFFFFFFF  }
0xc3: {  	_ =	task.clear_ibuf [dreg:s8], $0x2FFFF;
	_ =	strace $0x9FFFFFFF  }
0xc4: {  	(tm) =	ssettm $0x7FFFFFFF  }
0xc5: {  	_ =	shalt  }
tec
execute0_lowered:
.L_overlay_start_1:
0x0: {  	(tag) =	ssettag $0x1  }
0x1: {  	s1 =	rddreg [dreg:$0x0]  }
0x2: {  	s4 =	rddreg [dreg:$0x1]  }
0x3: {  	s5 =	rddreg [dreg:$0x2];
	s3 =	srdreg.scid  }
0x4: {  	s0 =	rddreg [dreg:$0x3];
	s2 =	stileid.u32  }
0x5: {  	s10 =	simm.s32 $0x1;
	s11 =	simm.s32 $0x8200;
	s12 =	simm.s32 $0x10200  }
0x6: {  	s13 =	simm.s32 $0x2;
	s14 =	simm.s32 $0x0;
	s6 =	sand.u32 $0x1, s3  }
0x7: {  	s3 =	simm.s32 $0x0;
	s7 =	sshll.u32 s2, $0xA;
	s8 =	sshll.u32 s6, $0x9  }
0x8: {  	[smem:$0x7FF] =	sst s3;
	s6 =	ssub.s32 $0x2, s6;
	s7 =	sor.u32 s8, s7  }
0x9: {  	_ =	strace $0x80000047;
	s31 =	sshrl.u32 s6, $0x1;
	s8 =	sshll.u32 s7, $0x4  }
0xa: {  	s7 =	sshrl.u32 s7, $0x3;
	s9 =	ssub.s32 s6, s31;
	s8 =	sadd.s32 s8, s5  }
0xb: {  	s4 =	sadd.s32 s4, s7;
	s7 =	smax.u32 s9, $0x1;
	s9 =	simm.s32 $0x3  }
0xc: {  	s5 =	sadd.s32 $0x400, s8;
	s6 =	sadd.s32 $0x1400, s8;
	s8 =	simm.s32 $0x8000  }
.LBB2_1:
0xd: {  	[tilespmem:s3], [sflag:$0x1] =	stream.linear.gather [hbm4b:s1+s3], $0x8000, $0x38;
	[tilespmem:$0x18200] =	vst v63  }
0xe: {  	_ = 	snop  }
0xf: {  	[tilespmem:s8], [sflag:$0x3] =	stream.linear.gather [hbm4b:s4+s3], $0x200, $0x38;
	[tilespmem:$0x18200] =	vst v63  }
0x10: {  	_ =	swait.ge [sflag:s9], $0x200  }
0x11: {  	[sflag:s9] =	ssyncset.done $0x0  }
0x12: {  	[sflag:s9] =	ssyncadd.s32 $0xFFFFFE00  }
0x13: {  	_ =	swait.ge [sflag:s10], $0x8000  }
0x14: {  	[sflag:s10] =	ssyncset.done $0x0  }
0x15: {  	s15 =	simm.s32 $0x8600;
	s16 =	simm.s32 $0x0;
	[sflag:s10] =	ssyncadd.s32 $0xFFFF8000  }
.LBB2_2:
0x16: {  	s17 =	sshra.s32 s16, $0x2  }
0x17: {  	v0 =	vld [tilespmem:s17+$0x8000];
	_ =	sdelay $0x4  }
0x18: {  	v0 =	vshll.u32 v0, $0x6  }
0x19: {  	(v2sf) =	vpush v0, $0x0;
	_ =	sdelay $0xe  }
0x1a: {  	s29 =	spop (v2sf)  }
0x1b: {  	v1 =	vld [tilespmem:s29+$0x100];
	_ =	sdelay $0x4  }
0x1c: {  	[tilespmem:s15+$0xFFFFFC00] =	vst v1  }
0x1d: {  	v1 =	vld [tilespmem:s29+$0x110];
	_ =	sdelay $0x1  }
0x1e: {  	(v2sf) =	vpush v0, $0x1;
	_ =	sdelay $0x2  }
0x1f: {  	[tilespmem:s15+$0xFFFFFC10] =	vst v1  }
0x20: {  	v1 =	vld [tilespmem:s29+$0x120];
	_ =	sdelay $0x4  }
0x21: {  	[tilespmem:s15+$0xFFFFFC20] =	vst v1  }
0x22: {  	v1 =	vld [tilespmem:s29+$0x130];
	_ =	sdelay $0x4  }
0x23: {  	s30 =	spop (v2sf);
	[tilespmem:s15+$0xFFFFFC30] =	vst v1  }
0x24: {  	v1 =	vld [tilespmem:s30+$0x100];
	_ =	sdelay $0x4  }
0x25: {  	[tilespmem:s15+$0xFFFFFC80] =	vst v1  }
0x26: {  	v1 =	vld [tilespmem:s30+$0x110];
	_ =	sdelay $0x1  }
0x27: {  	(v2sf) =	vpush v0, $0x2;
	_ =	sdelay $0x2  }
0x28: {  	[tilespmem:s15+$0xFFFFFC90] =	vst v1  }
0x29: {  	v1 =	vld [tilespmem:s30+$0x120];
	_ =	sdelay $0x4  }
0x2a: {  	[tilespmem:s15+$0xFFFFFCA0] =	vst v1  }
0x2b: {  	v1 =	vld [tilespmem:s30+$0x130];
	_ =	sdelay $0x4  }
0x2c: {  	s31 =	spop (v2sf);
	[tilespmem:s15+$0xFFFFFCB0] =	vst v1  }
0x2d: {  	v1 =	vld [tilespmem:s31+$0x100];
	_ =	sdelay $0x4  }
0x2e: {  	[tilespmem:s15+$0xFFFFFD00] =	vst v1  }
0x2f: {  	v1 =	vld [tilespmem:s31+$0x110];
	_ =	sdelay $0x1  }
0x30: {  	(v2sf) =	vpush v0, $0x3;
	_ =	sdelay $0x2  }
0x31: {  	[tilespmem:s15+$0xFFFFFD10] =	vst v1  }
0x32: {  	v1 =	vld [tilespmem:s31+$0x120];
	_ =	sdelay $0x4  }
0x33: {  	[tilespmem:s15+$0xFFFFFD20] =	vst v1  }
0x34: {  	v1 =	vld [tilespmem:s31+$0x130];
	_ =	sdelay $0x4  }
0x35: {  	s18 =	spop (v2sf);
	[tilespmem:s15+$0xFFFFFD30] =	vst v1  }
0x36: {  	v1 =	vld [tilespmem:s18+$0x100];
	_ =	sdelay $0x4  }
0x37: {  	[tilespmem:s15+$0xFFFFFD80] =	vst v1  }
0x38: {  	v1 =	vld [tilespmem:s18+$0x110];
	_ =	sdelay $0x1  }
0x39: {  	(v2sf) =	vpush v0, $0x4;
	_ =	sdelay $0x2  }
0x3a: {  	[tilespmem:s15+$0xFFFFFD90] =	vst v1  }
0x3b: {  	v1 =	vld [tilespmem:s18+$0x120];
	_ =	sdelay $0x4  }
0x3c: {  	[tilespmem:s15+$0xFFFFFDA0] =	vst v1  }
0x3d: {  	v1 =	vld [tilespmem:s18+$0x130];
	_ =	sdelay $0x4  }
0x3e: {  	s19 =	spop (v2sf);
	[tilespmem:s15+$0xFFFFFDB0] =	vst v1  }
0x3f: {  	v1 =	vld [tilespmem:s19+$0x100];
	_ =	sdelay $0x4  }
0x40: {  	[tilespmem:s15+$0xFFFFFE00] =	vst v1  }
0x41: {  	v1 =	vld [tilespmem:s19+$0x110];
	_ =	sdelay $0x1  }
0x42: {  	(v2sf) =	vpush v0, $0x5;
	_ =	sdelay $0x2  }
0x43: {  	[tilespmem:s15+$0xFFFFFE10] =	vst v1  }
0x44: {  	v1 =	vld [tilespmem:s19+$0x120];
	_ =	sdelay $0x4  }
0x45: {  	[tilespmem:s15+$0xFFFFFE20] =	vst v1  }
0x46: {  	v1 =	vld [tilespmem:s19+$0x130];
	_ =	sdelay $0x4  }
0x47: {  	s20 =	spop (v2sf);
	[tilespmem:s15+$0xFFFFFE30] =	vst v1  }
0x48: {  	v1 =	vld [tilespmem:s20+$0x100];
	_ =	sdelay $0x4  }
0x49: {  	[tilespmem:s15+$0xFFFFFE80] =	vst v1  }
0x4a: {  	v1 =	vld [tilespmem:s20+$0x110];
	_ =	sdelay $0x1  }
0x4b: {  	(v2sf) =	vpush v0, $0x6;
	_ =	sdelay $0x2  }
0x4c: {  	[tilespmem:s15+$0xFFFFFE90] =	vst v1  }
0x4d: {  	v1 =	vld [tilespmem:s20+$0x120];
	_ =	sdelay $0x4  }
0x4e: {  	[tilespmem:s15+$0xFFFFFEA0] =	vst v1  }
0x4f: {  	v1 =	vld [tilespmem:s20+$0x130];
	_ =	sdelay $0x4  }
0x50: {  	s21 =	spop (v2sf);
	[tilespmem:s15+$0xFFFFFEB0] =	vst v1  }
0x51: {  	v1 =	vld [tilespmem:s21+$0x100];
	_ =	sdelay $0x4  }
0x52: {  	[tilespmem:s15+$0xFFFFFF00] =	vst v1  }
0x53: {  	v1 =	vld [tilespmem:s21+$0x110];
	_ =	sdelay $0x1  }
0x54: {  	(v2sf) =	vpush v0, $0x7;
	_ =	sdelay $0x2  }
0x55: {  	[tilespmem:s15+$0xFFFFFF10] =	vst v1  }
0x56: {  	v1 =	vld [tilespmem:s21+$0x120];
	_ =	sdelay $0x4  }
0x57: {  	[tilespmem:s15+$0xFFFFFF20] =	vst v1  }
0x58: {  	v1 =	vld [tilespmem:s21+$0x130];
	_ =	sdelay $0x4  }
0x59: {  	s22 =	spop (v2sf);
	[tilespmem:s15+$0xFFFFFF30] =	vst v1  }
0x5a: {  	v1 =	vld [tilespmem:s22+$0x100];
	_ =	sdelay $0x4  }
0x5b: {  	[tilespmem:s15+$0xFFFFFF80] =	vst v1  }
0x5c: {  	v1 =	vld [tilespmem:s22+$0x110];
	_ =	sdelay $0x1  }
0x5d: {  	(v2sf) =	vpush v0, $0x8;
	_ =	sdelay $0x2  }
0x5e: {  	[tilespmem:s15+$0xFFFFFF90] =	vst v1  }
0x5f: {  	v1 =	vld [tilespmem:s22+$0x120];
	_ =	sdelay $0x4  }
0x60: {  	[tilespmem:s15+$0xFFFFFFA0] =	vst v1  }
0x61: {  	v1 =	vld [tilespmem:s22+$0x130];
	_ =	sdelay $0x4  }
0x62: {  	s23 =	spop (v2sf);
	[tilespmem:s15+$0xFFFFFFB0] =	vst v1  }
0x63: {  	v1 =	vld [tilespmem:s23+$0x100];
	_ =	sdelay $0x4  }
0x64: {  	[tilespmem:s15+$0x0] =	vst v1  }
0x65: {  	v1 =	vld [tilespmem:s23+$0x110];
	_ =	sdelay $0x1  }
0x66: {  	(v2sf) =	vpush v0, $0x9;
	_ =	sdelay $0x2  }
0x67: {  	[tilespmem:s15+$0x10] =	vst v1  }
0x68: {  	v1 =	vld [tilespmem:s23+$0x120];
	_ =	sdelay $0x4  }
0x69: {  	[tilespmem:s15+$0x20] =	vst v1  }
0x6a: {  	v1 =	vld [tilespmem:s23+$0x130];
	_ =	sdelay $0x4  }
0x6b: {  	s24 =	spop (v2sf);
	[tilespmem:s15+$0x30] =	vst v1  }
0x6c: {  	v1 =	vld [tilespmem:s24+$0x100];
	_ =	sdelay $0x4  }
0x6d: {  	[tilespmem:s15+$0x80] =	vst v1  }
0x6e: {  	v1 =	vld [tilespmem:s24+$0x110];
	_ =	sdelay $0x1  }
0x6f: {  	(v2sf) =	vpush v0, $0xA;
	_ =	sdelay $0x2  }
0x70: {  	[tilespmem:s15+$0x90] =	vst v1  }
0x71: {  	v1 =	vld [tilespmem:s24+$0x120];
	_ =	sdelay $0x4  }
0x72: {  	[tilespmem:s15+$0xA0] =	vst v1  }
0x73: {  	v1 =	vld [tilespmem:s24+$0x130];
	_ =	sdelay $0x4  }
0x74: {  	s25 =	spop (v2sf);
	[tilespmem:s15+$0xB0] =	vst v1  }
0x75: {  	v1 =	vld [tilespmem:s25+$0x100];
	_ =	sdelay $0x4  }
0x76: {  	[tilespmem:s15+$0x100] =	vst v1  }
0x77: {  	v1 =	vld [tilespmem:s25+$0x110];
	_ =	sdelay $0x1  }
0x78: {  	(v2sf) =	vpush v0, $0xB;
	_ =	sdelay $0x2  }
0x79: {  	[tilespmem:s15+$0x110] =	vst v1  }
0x7a: {  	v1 =	vld [tilespmem:s25+$0x120];
	_ =	sdelay $0x4  }
0x7b: {  	[tilespmem:s15+$0x120] =	vst v1  }
0x7c: {  	v1 =	vld [tilespmem:s25+$0x130];
	_ =	sdelay $0x4  }
0x7d: {  	s26 =	spop (v2sf);
	[tilespmem:s15+$0x130] =	vst v1  }
0x7e: {  	v1 =	vld [tilespmem:s26+$0x100];
	_ =	sdelay $0x4  }
0x7f: {  	[tilespmem:s15+$0x180] =	vst v1  }
0x80: {  	v1 =	vld [tilespmem:s26+$0x110];
	_ =	sdelay $0x1  }
0x81: {  	(v2sf) =	vpush v0, $0xC;
	_ =	sdelay $0x2  }
0x82: {  	[tilespmem:s15+$0x190] =	vst v1  }
0x83: {  	v1 =	vld [tilespmem:s26+$0x120];
	_ =	sdelay $0x4  }
0x84: {  	[tilespmem:s15+$0x1A0] =	vst v1  }
0x85: {  	v1 =	vld [tilespmem:s26+$0x130];
	_ =	sdelay $0x4  }
0x86: {  	s28 =	spop (v2sf);
	[tilespmem:s15+$0x1B0] =	vst v1  }
0x87: {  	v1 =	vld [tilespmem:s28+$0x100];
	_ =	sdelay $0x4  }
0x88: {  	[tilespmem:s15+$0x200] =	vst v1  }
0x89: {  	v1 =	vld [tilespmem:s28+$0x110];
	_ =	sdelay $0x1  }
0x8a: {  	(v2sf) =	vpush v0, $0xD;
	_ =	sdelay $0x2  }
0x8b: {  	[tilespmem:s15+$0x210] =	vst v1  }
0x8c: {  	v1 =	vld [tilespmem:s28+$0x120];
	_ =	sdelay $0x4  }
0x8d: {  	[tilespmem:s15+$0x220] =	vst v1  }
0x8e: {  	v1 =	vld [tilespmem:s28+$0x130];
	_ =	sdelay $0x4  }
0x8f: {  	s29 =	spop (v2sf);
	[tilespmem:s15+$0x230] =	vst v1  }
0x90: {  	v1 =	vld [tilespmem:s29+$0x100];
	_ =	sdelay $0x4  }
0x91: {  	[tilespmem:s15+$0x280] =	vst v1  }
0x92: {  	v1 =	vld [tilespmem:s29+$0x110];
	_ =	sdelay $0x1  }
0x93: {  	(v2sf) =	vpush v0, $0xE;
	_ =	sdelay $0x2  }
0x94: {  	[tilespmem:s15+$0x290] =	vst v1  }
0x95: {  	v1 =	vld [tilespmem:s29+$0x120];
	_ =	sdelay $0x4  }
0x96: {  	[tilespmem:s15+$0x2A0] =	vst v1  }
0x97: {  	v1 =	vld [tilespmem:s29+$0x130];
	_ =	sdelay $0x4  }
0x98: {  	s30 =	spop (v2sf);
	[tilespmem:s15+$0x2B0] =	vst v1  }
0x99: {  	v1 =	vld [tilespmem:s30+$0x100];
	_ =	sdelay $0x4  }
0x9a: {  	[tilespmem:s15+$0x300] =	vst v1  }
0x9b: {  	v1 =	vld [tilespmem:s30+$0x110];
	_ =	sdelay $0x1  }
0x9c: {  	(v2sf) =	vpush v0, $0xF;
	_ =	sdelay $0x2  }
0x9d: {  	[tilespmem:s15+$0x310] =	vst v1  }
0x9e: {  	v63 =	vld [tilespmem:s30+$0x120];
	_ =	sdelay $0x4  }
0x9f: {  	[tilespmem:s15+$0x320] =	vst v63  }
0xa0: {  	v0 =	vld [tilespmem:s30+$0x130];
	_ =	sdelay $0x4  }
0xa1: {  	s31 =	spop (v2sf);
	[tilespmem:s15+$0x330] =	vst v0  }
0xa2: {  	v0 =	vld [tilespmem:s31+$0x100];
	_ =	sdelay $0x4  }
0xa3: {  	[tilespmem:s15+$0x380] =	vst v0  }
0xa4: {  	v0 =	vld [tilespmem:s31+$0x110];
	_ =	sdelay $0x4  }
0xa5: {  	[tilespmem:s15+$0x390] =	vst v0  }
0xa6: {  	v0 =	vld [tilespmem:s31+$0x120];
	_ =	sdelay $0x4  }
0xa7: {  	[tilespmem:s15+$0x3A0] =	vst v0  }
0xa8: {  	p0 =	sne.s32 s16, $0x3C0;
	v0 =	vld [tilespmem:s31+$0x130]  }
.Ltmp0:
0xa9: {  	_ = 	snop;
	(pc) =	sbr.rel @p0 .LBB2_2-.Ltmp0, $2  }
0xaa: {  	_ =	sdelay $0x2  }
0xab: {  	s16 =	sadd.s32 $0x40, s16;
	[tilespmem:s15+$0x3B0] =	vst v0;
	s15 =	sadd.s32 $0x800, s15  }
0xac: {  	s15 =	simm.s32 $0x0;
	s16 =	simm.s32 $0x100  }
0xad: {  	[hbm4b:s5+s15] =	stream.linear.scatter [tilespmem:s11], [sflag:$0x2], $0x8000, $0x38;
	[tilespmem:$0x18200] =	vst v63  }
.LBB2_4:
0xae: {  	s17 =	sadd.s32 $0xFFFFFF00, s16  }
0xaf: {  	s18 =	sand.u32 $0x180, s16;
	s17 =	sand.u32 $0x70, s17  }
0xb0: {  	s17 =	sor.u32 s17, s18  }
0xb1: {  	v0 =	vld [tilespmem:s17+$0x8000];
	_ =	sdelay $0x4  }
0xb2: {  	v0 =	vshll.u32 v0, $0x6  }
0xb3: {  	(v2sf) =	vpush v0, $0x0;
	_ =	sdelay $0xe  }
0xb4: {  	s28 =	spop (v2sf)  }
0xb5: {  	v1 =	vld [tilespmem:s28+$0x100];
	_ =	sdelay $0x3  }
0xb6: {  	s17 =	sshra.s32 s15, $0x2  }
0xb7: {  	[tilespmem:s17+$0x10200] =	vst v1  }
0xb8: {  	v1 =	vld [tilespmem:s28+$0x110];
	_ =	sdelay $0x1  }
0xb9: {  	(v2sf) =	vpush v0, $0x1;
	_ =	sdelay $0x2  }
0xba: {  	[tilespmem:s17+$0x10210] =	vst v1  }
0xbb: {  	v1 =	vld [tilespmem:s28+$0x120];
	_ =	sdelay $0x4  }
0xbc: {  	[tilespmem:s17+$0x10220] =	vst v1  }
0xbd: {  	v1 =	vld [tilespmem:s28+$0x130];
	_ =	sdelay $0x4  }
0xbe: {  	s29 =	spop (v2sf);
	[tilespmem:s17+$0x10230] =	vst v1  }
0xbf: {  	v1 =	vld [tilespmem:s29+$0x100];
	_ =	sdelay $0x4  }
0xc0: {  	[tilespmem:s17+$0x10280] =	vst v1  }
0xc1: {  	v1 =	vld [tilespmem:s29+$0x110];
	_ =	sdelay $0x1  }
0xc2: {  	(v2sf) =	vpush v0, $0x2;
	_ =	sdelay $0x2  }
0xc3: {  	[tilespmem:s17+$0x10290] =	vst v1  }
0xc4: {  	v1 =	vld [tilespmem:s29+$0x120];
	_ =	sdelay $0x4  }
0xc5: {  	[tilespmem:s17+$0x102A0] =	vst v1  }
0xc6: {  	v1 =	vld [tilespmem:s29+$0x130];
	_ =	sdelay $0x4  }
0xc7: {  	s30 =	spop (v2sf);
	[tilespmem:s17+$0x102B0] =	vst v1  }
0xc8: {  	v1 =	vld [tilespmem:s30+$0x100];
	_ =	sdelay $0x4  }
0xc9: {  	[tilespmem:s17+$0x10300] =	vst v1  }
0xca: {  	v1 =	vld [tilespmem:s30+$0x110];
	_ =	sdelay $0x1  }
0xcb: {  	(v2sf) =	vpush v0, $0x3;
	_ =	sdelay $0x2  }
0xcc: {  	[tilespmem:s17+$0x10310] =	vst v1  }
0xcd: {  	v1 =	vld [tilespmem:s30+$0x120];
	_ =	sdelay $0x4  }
0xce: {  	[tilespmem:s17+$0x10320] =	vst v1  }
0xcf: {  	v1 =	vld [tilespmem:s30+$0x130];
	_ =	sdelay $0x4  }
0xd0: {  	s31 =	spop (v2sf);
	[tilespmem:s17+$0x10330] =	vst v1  }
0xd1: {  	v1 =	vld [tilespmem:s31+$0x100];
	_ =	sdelay $0x4  }
0xd2: {  	[tilespmem:s17+$0x10380] =	vst v1  }
0xd3: {  	v1 =	vld [tilespmem:s31+$0x110];
	_ =	sdelay $0x1  }
0xd4: {  	(v2sf) =	vpush v0, $0x4;
	_ =	sdelay $0x2  }
0xd5: {  	[tilespmem:s17+$0x10390] =	vst v1  }
0xd6: {  	v1 =	vld [tilespmem:s31+$0x120];
	_ =	sdelay $0x4  }
0xd7: {  	[tilespmem:s17+$0x103A0] =	vst v1  }
0xd8: {  	v1 =	vld [tilespmem:s31+$0x130];
	_ =	sdelay $0x4  }
0xd9: {  	s19 =	spop (v2sf);
	[tilespmem:s17+$0x103B0] =	vst v1  }
0xda: {  	v1 =	vld [tilespmem:s19+$0x100];
	_ =	sdelay $0x4  }
0xdb: {  	[tilespmem:s17+$0x10400] =	vst v1  }
0xdc: {  	v1 =	vld [tilespmem:s19+$0x110];
	_ =	sdelay $0x1  }
0xdd: {  	(v2sf) =	vpush v0, $0x5;
	_ =	sdelay $0x2  }
0xde: {  	[tilespmem:s17+$0x10410] =	vst v1  }
0xdf: {  	v1 =	vld [tilespmem:s19+$0x120];
	_ =	sdelay $0x4  }
0xe0: {  	[tilespmem:s17+$0x10420] =	vst v1  }
0xe1: {  	v1 =	vld [tilespmem:s19+$0x130];
	_ =	sdelay $0x4  }
0xe2: {  	s20 =	spop (v2sf);
	[tilespmem:s17+$0x10430] =	vst v1  }
0xe3: {  	v1 =	vld [tilespmem:s20+$0x100];
	_ =	sdelay $0x4  }
0xe4: {  	[tilespmem:s17+$0x10480] =	vst v1  }
0xe5: {  	v1 =	vld [tilespmem:s20+$0x110];
	_ =	sdelay $0x1  }
0xe6: {  	(v2sf) =	vpush v0, $0x6;
	_ =	sdelay $0x2  }
0xe7: {  	[tilespmem:s17+$0x10490] =	vst v1  }
0xe8: {  	v1 =	vld [tilespmem:s20+$0x120];
	_ =	sdelay $0x4  }
0xe9: {  	[tilespmem:s17+$0x104A0] =	vst v1  }
0xea: {  	v1 =	vld [tilespmem:s20+$0x130];
	_ =	sdelay $0x4  }
0xeb: {  	s21 =	spop (v2sf);
	[tilespmem:s17+$0x104B0] =	vst v1  }
0xec: {  	v1 =	vld [tilespmem:s21+$0x100];
	_ =	sdelay $0x4  }
0xed: {  	[tilespmem:s17+$0x10500] =	vst v1  }
0xee: {  	v1 =	vld [tilespmem:s21+$0x110];
	_ =	sdelay $0x1  }
0xef: {  	(v2sf) =	vpush v0, $0x7;
	_ =	sdelay $0x2  }
0xf0: {  	[tilespmem:s17+$0x10510] =	vst v1  }
0xf1: {  	v1 =	vld [tilespmem:s21+$0x120];
	_ =	sdelay $0x4  }
0xf2: {  	[tilespmem:s17+$0x10520] =	vst v1  }
0xf3: {  	v1 =	vld [tilespmem:s21+$0x130];
	_ =	sdelay $0x4  }
0xf4: {  	s22 =	spop (v2sf);
	[tilespmem:s17+$0x10530] =	vst v1  }
0xf5: {  	v1 =	vld [tilespmem:s22+$0x100];
	_ =	sdelay $0x4  }
0xf6: {  	[tilespmem:s17+$0x10580] =	vst v1  }
0xf7: {  	v1 =	vld [tilespmem:s22+$0x110];
	_ =	sdelay $0x1  }
0xf8: {  	(v2sf) =	vpush v0, $0x8;
	_ =	sdelay $0x2  }
0xf9: {  	[tilespmem:s17+$0x10590] =	vst v1  }
0xfa: {  	v1 =	vld [tilespmem:s22+$0x120];
	_ =	sdelay $0x4  }
0xfb: {  	[tilespmem:s17+$0x105A0] =	vst v1  }
0xfc: {  	v1 =	vld [tilespmem:s22+$0x130];
	_ =	sdelay $0x4  }
0xfd: {  	s23 =	spop (v2sf);
	[tilespmem:s17+$0x105B0] =	vst v1  }
0xfe: {  	v1 =	vld [tilespmem:s23+$0x100];
	_ =	sdelay $0x4  }
0xff: {  	[tilespmem:s17+$0x10600] =	vst v1  }
0x100: {  	v1 =	vld [tilespmem:s23+$0x110];
	_ =	sdelay $0x1  }
0x101: {  	(v2sf) =	vpush v0, $0x9;
	_ =	sdelay $0x2  }
0x102: {  	[tilespmem:s17+$0x10610] =	vst v1  }
0x103: {  	v1 =	vld [tilespmem:s23+$0x120];
	_ =	sdelay $0x4  }
0x104: {  	[tilespmem:s17+$0x10620] =	vst v1  }
0x105: {  	v1 =	vld [tilespmem:s23+$0x130];
	_ =	sdelay $0x4  }
0x106: {  	s24 =	spop (v2sf);
	[tilespmem:s17+$0x10630] =	vst v1  }
0x107: {  	v1 =	vld [tilespmem:s24+$0x100];
	_ =	sdelay $0x4  }
0x108: {  	[tilespmem:s17+$0x10680] =	vst v1  }
0x109: {  	v1 =	vld [tilespmem:s24+$0x110];
	_ =	sdelay $0x1  }
0x10a: {  	(v2sf) =	vpush v0, $0xA;
	_ =	sdelay $0x2  }
0x10b: {  	[tilespmem:s17+$0x10690] =	vst v1  }
0x10c: {  	v1 =	vld [tilespmem:s24+$0x120];
	_ =	sdelay $0x4  }
0x10d: {  	[tilespmem:s17+$0x106A0] =	vst v1  }
0x10e: {  	v1 =	vld [tilespmem:s24+$0x130];
	_ =	sdelay $0x4  }
0x10f: {  	s25 =	spop (v2sf);
	[tilespmem:s17+$0x106B0] =	vst v1  }
0x110: {  	v1 =	vld [tilespmem:s25+$0x100];
	_ =	sdelay $0x4  }
0x111: {  	[tilespmem:s17+$0x10700] =	vst v1  }
0x112: {  	v1 =	vld [tilespmem:s25+$0x110];
	_ =	sdelay $0x1  }
0x113: {  	(v2sf) =	vpush v0, $0xB;
	_ =	sdelay $0x2  }
0x114: {  	[tilespmem:s17+$0x10710] =	vst v1  }
0x115: {  	v1 =	vld [tilespmem:s25+$0x120];
	_ =	sdelay $0x4  }
0x116: {  	[tilespmem:s17+$0x10720] =	vst v1  }
0x117: {  	v1 =	vld [tilespmem:s25+$0x130];
	_ =	sdelay $0x4  }
0x118: {  	s26 =	spop (v2sf);
	[tilespmem:s17+$0x10730] =	vst v1  }
0x119: {  	v1 =	vld [tilespmem:s26+$0x100];
	_ =	sdelay $0x4  }
0x11a: {  	[tilespmem:s17+$0x10780] =	vst v1  }
0x11b: {  	v1 =	vld [tilespmem:s26+$0x110];
	_ =	sdelay $0x1  }
0x11c: {  	(v2sf) =	vpush v0, $0xC;
	_ =	sdelay $0x2  }
0x11d: {  	[tilespmem:s17+$0x10790] =	vst v1  }
0x11e: {  	v1 =	vld [tilespmem:s26+$0x120];
	_ =	sdelay $0x4  }
0x11f: {  	[tilespmem:s17+$0x107A0] =	vst v1  }
0x120: {  	v1 =	vld [tilespmem:s26+$0x130];
	_ =	sdelay $0x4  }
0x121: {  	s28 =	spop (v2sf);
	[tilespmem:s17+$0x107B0] =	vst v1  }
0x122: {  	v1 =	vld [tilespmem:s28+$0x100];
	_ =	sdelay $0x4  }
0x123: {  	[tilespmem:s17+$0x10800] =	vst v1  }
0x124: {  	v1 =	vld [tilespmem:s28+$0x110];
	_ =	sdelay $0x1  }
0x125: {  	(v2sf) =	vpush v0, $0xD;
	_ =	sdelay $0x2  }
0x126: {  	[tilespmem:s17+$0x10810] =	vst v1  }
0x127: {  	v1 =	vld [tilespmem:s28+$0x120];
	_ =	sdelay $0x4  }
0x128: {  	[tilespmem:s17+$0x10820] =	vst v1  }
0x129: {  	v1 =	vld [tilespmem:s28+$0x130];
	_ =	sdelay $0x4  }
0x12a: {  	s29 =	spop (v2sf);
	[tilespmem:s17+$0x10830] =	vst v1  }
0x12b: {  	v1 =	vld [tilespmem:s29+$0x100];
	_ =	sdelay $0x4  }
0x12c: {  	[tilespmem:s17+$0x10880] =	vst v1  }
0x12d: {  	v1 =	vld [tilespmem:s29+$0x110];
	_ =	sdelay $0x1  }
0x12e: {  	(v2sf) =	vpush v0, $0xE;
	_ =	sdelay $0x2  }
0x12f: {  	[tilespmem:s17+$0x10890] =	vst v1  }
0x130: {  	v1 =	vld [tilespmem:s29+$0x120];
	_ =	sdelay $0x4  }
0x131: {  	[tilespmem:s17+$0x108A0] =	vst v1  }
0x132: {  	v1 =	vld [tilespmem:s29+$0x130];
	_ =	sdelay $0x4  }
0x133: {  	s30 =	spop (v2sf);
	[tilespmem:s17+$0x108B0] =	vst v1  }
0x134: {  	v1 =	vld [tilespmem:s30+$0x100];
	_ =	sdelay $0x4  }
0x135: {  	[tilespmem:s17+$0x10900] =	vst v1  }
0x136: {  	v1 =	vld [tilespmem:s30+$0x110];
	_ =	sdelay $0x1  }
0x137: {  	(v2sf) =	vpush v0, $0xF;
	_ =	sdelay $0x2  }
0x138: {  	[tilespmem:s17+$0x10910] =	vst v1  }
0x139: {  	v63 =	vld [tilespmem:s30+$0x120];
	_ =	sdelay $0x4  }
0x13a: {  	[tilespmem:s17+$0x10920] =	vst v63  }
0x13b: {  	v0 =	vld [tilespmem:s30+$0x130];
	_ =	sdelay $0x4  }
0x13c: {  	s31 =	spop (v2sf);
	[tilespmem:s17+$0x10930] =	vst v0  }
0x13d: {  	v0 =	vld [tilespmem:s31+$0x100];
	_ =	sdelay $0x4  }
0x13e: {  	[tilespmem:s17+$0x10980] =	vst v0  }
0x13f: {  	v0 =	vld [tilespmem:s31+$0x110];
	_ =	sdelay $0x4  }
0x140: {  	[tilespmem:s17+$0x10990] =	vst v0  }
0x141: {  	v0 =	vld [tilespmem:s31+$0x120];
	_ =	sdelay $0x4  }
0x142: {  	[tilespmem:s17+$0x109A0] =	vst v0  }
0x143: {  	p0 =	sne.s32 s15, $0x1E000;
	v0 =	vld [tilespmem:s31+$0x130]  }
.Ltmp1:
0x144: {  	_ = 	snop;
	(pc) =	sbr.rel @p0 .LBB2_4-.Ltmp1, $2  }
0x145: {  	_ =	sdelay $0x2  }
0x146: {  	s16 =	sadd.s32 $0x10, s16;
	s15 =	sadd.s32 $0x2000, s15;
	[tilespmem:s17+$0x109B0] =	vst v0  }
0x147: {  	[hbm4b:s6+s3] =	stream.linear.scatter [tilespmem:s12], [sflag:$0x2], $0x8000, $0x38;
	[tilespmem:$0x18200] =	vst v63  }
0x148: {  	s14 =	sadd.s32 $0x1, s14  }
0x149: {  	_ =	swait.ge [sflag:s13], $0x8000;
	p0 =	sne.s32 s14, s7  }
.Ltmp2:
0x14a: {  	[sflag:s13] =	ssyncset.done $0x0;
	(pc) =	sbr.rel @p0 .LBB2_1-.Ltmp2, $4  }
0x14b: {  	[sflag:s13] =	ssyncadd.s32 $0xFFFF8000  }
0x14c: {  	_ =	swait.ge [sflag:s13], $0x8000  }
0x14d: {  	[sflag:s13] =	ssyncset.done $0x0  }
0x14e: {  	[sflag:s13] =	ssyncadd.s32 $0xFFFF8000  }
0x14f: {  	_ =	sfence.sel $0x180000  }
0x150: {  	[bflag:$0x0] =	sbarrier.arrive $0xFFFF  }
0x151: {  	p0 =	sne.s32 s2, $0x0;
	_ =	strace $0x90000047  }
0x152: {  	s0 =	sadd.s32 @!p0 $0x100000, s0;
	[bflag:$0x2] =	sbarrier.arrive $0xFFFF  }
0x153: {  	[sflag:s0] =	ssyncadd.tile.s32 @!p0 $0x1;
	_ =	shalt  }
.Lfunc_end2:
_tile_overlayer_lowered:
.L_overlay_start_2:
0x154: {  	(tag) =	ssettag $0x2  }
0x155: {  	s0 =	rddreg [dreg:$0x0];
	s2 =	stileid.u32  }
0x156: {  	s1 =	rddreg [dreg:$0x1];
	p0 =	sne.s32 s2, $0x0  }
0x157: {  	s3 =	rddreg [dreg:$0x2];
	[bflag:$0x3] =	sbarrier.arrive $0xFFFF;
	s2 =	simm.s32 @!p0 $0x1C03  }
0x158: {  	[timem:s3], [sflag:s2] =	dma.local @!p0 [hbm:s0], s1  }
0x159: {  	s0 =	simm.s32 @!p0 $0x3  }
0x15a: {  	_ =	swait.ge @!p0 [sflag:s0], s1  }
0x15b: {  	s1 =	ssub.s32 @!p0 $0x0, s1;
	[sflag:s0] =	ssyncset.done @!p0 $0x0  }
0x15c: {  	[sflag:s0] =	ssyncadd.s32 @!p0 s1  }
0x15d: {  	[bflag:$0x3] =	sbarrier.arrive $0xFFFF  }
0x15e: {  	_ =	shalt  }

</sc_bundles>
